<compile_context>
chip_gen: v7x
topology: tpu7x:2x2x1
jax: 0.10.2.dev20260603
libtpu: 0.0.44.dev20260713+nightly
codegen_flags: <defaults>
</compile_context>

<pallas_src>
import functools

import jax
import jax.numpy as jnp
from jax import lax
from jax.experimental import pallas as pl
from jax.experimental.pallas import tpu as pltpu
from jax.experimental.pallas import tpu_sc as plsc

N = 2048
D_IN = 768
D_OUT = 768
E = 64
T = 64
GL = 128

NC = 2
NS = 16
NW = NC * NS
BPW = N // NW


def _sc_mesh():
    return plsc.VectorSubcoreMesh(core_axis_name="c", subcore_axis_name="s",
                                  num_cores=NC, num_subcores=NS)


SCH = 4
CW = BPW // SCH


def _gather_body(inp_hbm, tok_hbm, g2_hbm, xs_hbm, gs_hbm,
                 idx_g, rows_g, *rest):
    idx_c = rest[0:SCH]
    rows_c = rest[SCH:2 * SCH]
    sem_st = rest[2 * SCH]
    sem_gx = rest[2 * SCH + 1]
    sem_wb = rest[2 * SCH + 2]
    sem_g = rest[2 * SCH + 3]
    wid = lax.axis_index("s") * NC + lax.axis_index("c")
    base = wid * BPW
    stg = [pltpu.async_copy(tok_hbm.at[pl.ds(base + j * CW, CW)], idx_c[j],
                            sem_st.at[j]) for j in range(SCH)]
    stg_g = pltpu.async_copy(tok_hbm.at[pl.ds(base, BPW)], idx_g, sem_g)
    gx = []
    for j in range(SCH):
        stg[j].wait()
        gx.append(pltpu.async_copy(inp_hbm.at[idx_c[j]], rows_c[j],
                                   sem_gx.at[j]))
    stg_g.wait()
    gg = pltpu.async_copy(g2_hbm.at[idx_g], rows_g, sem_g)
    wb = []
    for j in range(SCH):
        gx[j].wait()
        wb.append(pltpu.async_copy(rows_c[j],
                                   xs_hbm.at[pl.ds(base + j * CW, CW)],
                                   sem_wb.at[j]))
    gg.wait()
    wbg = pltpu.async_copy(rows_g, gs_hbm.at[pl.ds(base, BPW)], sem_g)
    for j in range(SCH):
        wb[j].wait()
    wbg.wait()


def _scatter_body(y_hbm, tok_hbm, out_hbm, *rest):
    idx_c = rest[0:SCH]
    rows_c = rest[SCH:2 * SCH]
    sem_st = rest[2 * SCH]
    sem_ld = rest[2 * SCH + 1]
    sem_sc = rest[2 * SCH + 2]
    wid = lax.axis_index("s") * NC + lax.axis_index("c")
    base = wid * BPW
    stg = [pltpu.async_copy(tok_hbm.at[pl.ds(base + j * CW, CW)], idx_c[j],
                            sem_st.at[j]) for j in range(SCH)]
    ld = [pltpu.async_copy(y_hbm.at[pl.ds(base + j * CW, CW)], rows_c[j],
                           sem_ld.at[j]) for j in range(SCH)]
    sc = []
    for j in range(SCH):
        stg[j].wait()
        ld[j].wait()
        sc.append(pltpu.async_copy(rows_c[j], out_hbm.at[idx_c[j]],
                                   sem_sc.at[j]))
    for j in range(SCH):
        sc[j].wait()


def _sc_gather(inputs, tok, g2):
    return pl.kernel(
        _gather_body,
        out_type=(jax.ShapeDtypeStruct((N, D_IN), jnp.float32),
                  jax.ShapeDtypeStruct((N, GL), jnp.float32)),
        mesh=_sc_mesh(),
        scratch_types=(
            [pltpu.VMEM((BPW,), jnp.int32),
             pltpu.VMEM((BPW, GL), jnp.float32)]
            + [pltpu.VMEM((CW,), jnp.int32) for _ in range(SCH)]
            + [pltpu.VMEM((CW, D_IN), jnp.float32) for _ in range(SCH)]
            + [pltpu.SemaphoreType.DMA((SCH,)),
               pltpu.SemaphoreType.DMA((SCH,)),
               pltpu.SemaphoreType.DMA((SCH,)),
               pltpu.SemaphoreType.DMA]
        ),
    )(inputs, tok, g2)


def _sc_scatter(y_sorted, tok):
    return pl.kernel(
        _scatter_body,
        out_type=jax.ShapeDtypeStruct((N, D_OUT), jnp.float32),
        mesh=_sc_mesh(),
        scratch_types=(
            [pltpu.VMEM((CW,), jnp.int32) for _ in range(SCH)]
            + [pltpu.VMEM((CW, D_OUT), jnp.float32) for _ in range(SCH)]
            + [pltpu.SemaphoreType.DMA((SCH,)),
               pltpu.SemaphoreType.DMA((SCH,)),
               pltpu.SemaphoreType.DMA((SCH,))]
        ),
    )(y_sorted, tok)


NBUF = 4


BLK = 128
NBLK = N // BLK


def _gemm_body(offs_ref, w_hbm, x_ref, g_ref, y_hbm, y_ref, wbuf, sems,
               sem_y):
    H = D_OUT // 2

    def flush_block(b):
        b = pl.multiple_of(b * BLK, BLK)
        pltpu.make_async_copy(y_ref.at[pl.ds(b, BLK)],
                              y_hbm.at[pl.ds(b, BLK)], sem_y).start()

    def start_fetch(e):
        b = lax.rem(e, NBUF)
        pltpu.make_async_copy(w_hbm.at[e, pl.ds(0, H)],
                              wbuf.at[b, pl.ds(0, H)], sems.at[b, 0]).start()
        pltpu.make_async_copy(w_hbm.at[e, pl.ds(H, H)],
                              wbuf.at[b, pl.ds(H, H)], sems.at[b, 1]).start()

    for e in range(NBUF):
        start_fetch(e)

    def step(e, nb):
        b = lax.rem(e, NBUF)
        pltpu.make_async_copy(w_hbm.at[e, pl.ds(0, H)],
                              wbuf.at[b, pl.ds(0, H)], sems.at[b, 0]).wait()
        pltpu.make_async_copy(w_hbm.at[e, pl.ds(H, H)],
                              wbuf.at[b, pl.ds(H, H)], sems.at[b, 1]).wait()
        s = jnp.where(e == 0, 0, offs_ref[jnp.maximum(e - 1, 0)])
        end = offs_ref[e]
        s8 = (s // 8) * 8
        nt = (end - s8 + T - 1) // T

        def body(i, _):
            base = pl.multiple_of(jnp.minimum(s8 + i * T, N - T), 8)
            xg = x_ref[pl.ds(base, T), :] * g_ref[pl.ds(base, T), 0:1]
            y = lax.dot_general(xg, wbuf[b],
                                dimension_numbers=(((1,), (1,)), ((), ())),
                                preferred_element_type=jnp.float32)
            q = base + lax.broadcasted_iota(jnp.int32, (T, D_OUT), 0)
            m = (q >= s) & (q < end)
            y_ref[pl.ds(base, T), :] = jnp.where(m, y,
                                                 y_ref[pl.ds(base, T), :])
            return 0

        lax.fori_loop(0, nt, body, 0)

        @pl.when(e + NBUF < E)
        def _():
            start_fetch(e + NBUF)

        done = end // BLK
        for _ in range(2):
            @pl.when(nb < done)
            def _():
                flush_block(nb)
            nb = jnp.where(nb < done, nb + 1, nb)
        return nb

    nb = lax.fori_loop(0, E, step, 0)
    for i in range(NBLK):
        @pl.when(i >= nb)
        def _():
            flush_block(jnp.int32(i))
    for _ in range(NBLK):
        pltpu.make_async_copy(y_ref.at[pl.ds(0, BLK)],
                              y_hbm.at[pl.ds(0, BLK)], sem_y).wait()


def _tc_grouped_gemm(expert_offsets, weight, x_sorted, g_sorted):
    return pl.pallas_call(
        _gemm_body,
        in_specs=[
            pl.BlockSpec(memory_space=pltpu.SMEM),
            pl.BlockSpec(memory_space=pltpu.MemorySpace.HBM),
            pl.BlockSpec(memory_space=pltpu.VMEM),
            pl.BlockSpec(memory_space=pltpu.VMEM),
        ],
        out_specs=pl.BlockSpec(memory_space=pltpu.MemorySpace.HBM),
        out_shape=jax.ShapeDtypeStruct((N, D_OUT), jnp.float32),
        scratch_shapes=[
            pltpu.VMEM((N, D_OUT), jnp.float32),
            pltpu.VMEM((NBUF, D_OUT, D_IN), jnp.float32),
            pltpu.SemaphoreType.DMA((NBUF, 2)),
            pltpu.SemaphoreType.DMA,
        ],
    )(expert_offsets, weight, x_sorted, g_sorted)


def kernel(inputs, weight, k, sorted_expert_idxs, sorted_scattered_idxs,
           expert_offsets, gates):
    tok = (sorted_scattered_idxs // k).astype(jnp.int32)
    g2 = jnp.broadcast_to(gates.reshape(N, 1).astype(jnp.float32), (N, GL))
    x_sorted, g_sorted = _sc_gather(inputs, tok, g2)
    y_sorted = _tc_grouped_gemm(expert_offsets, weight, x_sorted, g_sorted)
    return _sc_scatter(y_sorted, tok)

# --- scband reference (transcript-rebuilt; emitter-appended) ---
"""Pipeline reference for scband-parallel-experts-40862318854390 (READ-ONLY COPY).

The authoritative reference and input builder live on the scoring server;
editing this copy changes nothing except your own understanding.
"""

import jax, jax.numpy as jnp
import numpy as np

E = 64
IN = 768
OUT = 768
N = 2048
K = 1

def setup_inputs(seed: int = 0) -> dict:
    key = jax.random.key(seed)
    k1, k2, k3, k4 = jax.random.split(key, 4)
    inputs = jax.random.normal(k1, (N, IN), dtype=jnp.float32)
    weight = jax.random.normal(k2, (E, OUT, IN), dtype=jnp.float32) * 0.02
    expert_idxs = jax.random.randint(k3, (N * K,), 0, E)
    sorted_scattered_idxs = jnp.argsort(expert_idxs).astype(jnp.int32)
    sorted_expert_idxs = jnp.sort(expert_idxs).astype(jnp.int32)
    counts = jnp.bincount(expert_idxs, length=E)
    expert_offsets = jnp.cumsum(counts).astype(jnp.int32)
    gates = jax.random.uniform(k4, (N, K), dtype=jnp.float32)
    return {
        "inputs": inputs,
        "weight": weight,
        "k": K,
        "sorted_expert_idxs": sorted_expert_idxs,
        "sorted_scattered_idxs": sorted_scattered_idxs,
        "expert_offsets": expert_offsets,
        "gates": gates,
    }

def reference(inputs, weight, k, sorted_expert_idxs, sorted_scattered_idxs, expert_offsets, gates):
    # weight: [E, OUT, IN]; forward uses weight.permute(0, 2, 1) -> [E, IN, OUT]
    Wt = jnp.transpose(weight, (0, 2, 1))
    num_experts = Wt.shape[0]
    out_dim = Wt.shape[2]
    n_tokens = inputs.shape[0]
    # token for each sorted position (grouped_in=False): gather inputs
    token_idx = sorted_scattered_idxs // k
    x = jnp.take(inputs, token_idx, axis=0)  # [N*k, IN]
    # grouped (sorted-by-expert) blockwise matmul using expert_offsets boundaries
    pos = jnp.arange(sorted_scattered_idxs.shape[0], dtype=jnp.int32)
    seg = jnp.searchsorted(expert_offsets, pos, side='right')
    y = jnp.zeros((x.shape[0], out_dim), dtype=x.dtype)
    for e in range(num_experts):
        y = jnp.where((seg == e)[:, None], x @ Wt[e], y)  # [N*k, OUT] in sorted order
    # gate-weighted scatter-add back to token order (grouped_out=False, gates given)
    flat_gates = jnp.take(gates.reshape(-1), sorted_scattered_idxs, axis=0)
    out = jnp.zeros((n_tokens, out_dim), dtype=inputs.dtype).at[token_idx].add(y * flat_gates[:, None])
    return out

if __name__ == "__main__":
    import jax
    _d = setup_inputs()
    print(jax.jit(kernel)(*tuple(_d.values())))

</pallas_src>

<mosaic_0001>
#map = affine_map<(d0, d1) -> (0, 0)>
#map1 = affine_map<(d0, d1) -> (0)>
module attributes {stable_mosaic.version = 14 : i64} {
  func.func @_gather_body(%arg0: i32, %arg1: i32, %arg2: memref<2048x768xf32, #tpu.memory_space<hbm>>, %arg3: memref<2048xi32, #tpu.memory_space<hbm>>, %arg4: memref<2048x128xf32, #tpu.memory_space<hbm>>, %arg5: memref<2048x768xf32, #tpu.memory_space<hbm>>, %arg6: memref<2048x128xf32, #tpu.memory_space<hbm>>, %arg7: memref<64xi32, #tpu.memory_space<vmem>>, %arg8: memref<64x128xf32, #tpu.memory_space<vmem>>, %arg9: memref<16xi32, #tpu.memory_space<vmem>>, %arg10: memref<16xi32, #tpu.memory_space<vmem>>, %arg11: memref<16xi32, #tpu.memory_space<vmem>>, %arg12: memref<16xi32, #tpu.memory_space<vmem>>, %arg13: memref<16x768xf32, #tpu.memory_space<vmem>>, %arg14: memref<16x768xf32, #tpu.memory_space<vmem>>, %arg15: memref<16x768xf32, #tpu.memory_space<vmem>>, %arg16: memref<16x768xf32, #tpu.memory_space<vmem>>, %arg17: memref<4x!tpu.dma_semaphore, #tpu.memory_space<semaphore_mem>>, %arg18: memref<4x!tpu.dma_semaphore, #tpu.memory_space<semaphore_mem>>, %arg19: memref<4x!tpu.dma_semaphore, #tpu.memory_space<semaphore_mem>>, %arg20: memref<!tpu.dma_semaphore, #tpu.memory_space<semaphore_mem>>) attributes {dimension_semantics = [#tpu.dimension_semantics<core_parallel>, #tpu.dimension_semantics<subcore_parallel>], iteration_bounds = array<i64: 2, 16>, scalar_prefetch = 0 : i64, scratch_operands = 14 : i64, tpu.core_type = #tpu.core_type<sc_vector_subcore>, window_params = [{transform_indices = #map}, {transform_indices = #map1}, {transform_indices = #map}, {transform_indices = #map}, {transform_indices = #map}]} {
    %mul3A = arith.constant 2 : i32
    %mul3A_0 = arith.muli %arg1, %mul3A : i32
    %add3A = arith.addi %mul3A_0, %arg0 : i32
    %mul3A_1 = arith.constant 64 : i32
    %mul3A_2 = arith.muli %add3A, %mul3A_1 : i32
    %add3A_3 = arith.constant 0 : i32
    %add3A_4 = arith.addi %mul3A_2, %add3A_3 : i32
    %dma_start3A = arith.constant 0 : i32
    %dma_start3A_5 = tpu.memref_slice %arg3[%add3A_4] : memref<2048xi32, #tpu.memory_space<hbm>> -> memref<16xi32, #tpu.memory_space<hbm>>
    %dma_start3A_6 = tpu.memref_slice %arg17[%dma_start3A] : memref<4x!tpu.dma_semaphore, #tpu.memory_space<semaphore_mem>> -> memref<1x!tpu.dma_semaphore, #tpu.memory_space<semaphore_mem>>
    %dma_start3A_7 = tpu.memref_squeeze %dma_start3A_6 : memref<1x!tpu.dma_semaphore, #tpu.memory_space<semaphore_mem>> -> memref<!tpu.dma_semaphore, #tpu.memory_space<semaphore_mem>>
    %dma_start3A_8 = tpu.memref_slice %arg3[%add3A_4] : memref<2048xi32, #tpu.memory_space<hbm>> -> memref<16xi32, #tpu.memory_space<hbm>>
    tpu.enqueue_dma source(%dma_start3A_8 : memref<16xi32, #tpu.memory_space<hbm>>) target(%arg9 : memref<16xi32, #tpu.memory_space<vmem>>) target_semaphore(%dma_start3A_7 : memref<!tpu.dma_semaphore, #tpu.memory_space<semaphore_mem>>)
    %add3A_9 = arith.constant 16 : i32
    %add3A_10 = arith.addi %mul3A_2, %add3A_9 : i32
    %dma_start3A_11 = arith.constant 1 : i32
    %dma_start3A_12 = tpu.memref_slice %arg3[%add3A_10] : memref<2048xi32, #tpu.memory_space<hbm>> -> memref<16xi32, #tpu.memory_space<hbm>>
    %dma_start3A_13 = tpu.memref_slice %arg17[%dma_start3A_11] : memref<4x!tpu.dma_semaphore, #tpu.memory_space<semaphore_mem>> -> memref<1x!tpu.dma_semaphore, #tpu.memory_space<semaphore_mem>>
    %dma_start3A_14 = tpu.memref_squeeze %dma_start3A_13 : memref<1x!tpu.dma_semaphore, #tpu.memory_space<semaphore_mem>> -> memref<!tpu.dma_semaphore, #tpu.memory_space<semaphore_mem>>
    %dma_start3A_15 = tpu.memref_slice %arg3[%add3A_10] : memref<2048xi32, #tpu.memory_space<hbm>> -> memref<16xi32, #tpu.memory_space<hbm>>
    tpu.enqueue_dma source(%dma_start3A_15 : memref<16xi32, #tpu.memory_space<hbm>>) target(%arg10 : memref<16xi32, #tpu.memory_space<vmem>>) target_semaphore(%dma_start3A_14 : memref<!tpu.dma_semaphore, #tpu.memory_space<semaphore_mem>>)
    %add3A_16 = arith.constant 32 : i32
    %add3A_17 = arith.addi %mul3A_2, %add3A_16 : i32
    %dma_start3A_18 = arith.constant 2 : i32
    %dma_start3A_19 = tpu.memref_slice %arg3[%add3A_17] : memref<2048xi32, #tpu.memory_space<hbm>> -> memref<16xi32, #tpu.memory_space<hbm>>
    %dma_start3A_20 = tpu.memref_slice %arg17[%dma_start3A_18] : memref<4x!tpu.dma_semaphore, #tpu.memory_space<semaphore_mem>> -> memref<1x!tpu.dma_semaphore, #tpu.memory_space<semaphore_mem>>
    %dma_start3A_21 = tpu.memref_squeeze %dma_start3A_20 : memref<1x!tpu.dma_semaphore, #tpu.memory_space<semaphore_mem>> -> memref<!tpu.dma_semaphore, #tpu.memory_space<semaphore_mem>>
    %dma_start3A_22 = tpu.memref_slice %arg3[%add3A_17] : memref<2048xi32, #tpu.memory_space<hbm>> -> memref<16xi32, #tpu.memory_space<hbm>>
    tpu.enqueue_dma source(%dma_start3A_22 : memref<16xi32, #tpu.memory_space<hbm>>) target(%arg11 : memref<16xi32, #tpu.memory_space<vmem>>) target_semaphore(%dma_start3A_21 : memref<!tpu.dma_semaphore, #tpu.memory_space<semaphore_mem>>)
    %add3A_23 = arith.constant 48 : i32
    %add3A_24 = arith.addi %mul3A_2, %add3A_23 : i32
    %dma_start3A_25 = arith.constant 3 : i32
    %dma_start3A_26 = tpu.memref_slice %arg3[%add3A_24] : memref<2048xi32, #tpu.memory_space<hbm>> -> memref<16xi32, #tpu.memory_space<hbm>>
    %dma_start3A_27 = tpu.memref_slice %arg17[%dma_start3A_25] : memref<4x!tpu.dma_semaphore, #tpu.memory_space<semaphore_mem>> -> memref<1x!tpu.dma_semaphore, #tpu.memory_space<semaphore_mem>>
    %dma_start3A_28 = tpu.memref_squeeze %dma_start3A_27 : memref<1x!tpu.dma_semaphore, #tpu.memory_space<semaphore_mem>> -> memref<!tpu.dma_semaphore, #tpu.memory_space<semaphore_mem>>
    %dma_start3A_29 = tpu.memref_slice %arg3[%add3A_24] : memref<2048xi32, #tpu.memory_space<hbm>> -> memref<16xi32, #tpu.memory_space<hbm>>
    tpu.enqueue_dma source(%dma_start3A_29 : memref<16xi32, #tpu.memory_space<hbm>>) target(%arg12 : memref<16xi32, #tpu.memory_space<vmem>>) target_semaphore(%dma_start3A_28 : memref<!tpu.dma_semaphore, #tpu.memory_space<semaphore_mem>>)
    %dma_start3A_30 = tpu.memref_slice %arg3[%mul3A_2] : memref<2048xi32, #tpu.memory_space<hbm>> -> memref<64xi32, #tpu.memory_space<hbm>>
    %dma_start3A_31 = tpu.memref_slice %arg3[%mul3A_2] : memref<2048xi32, #tpu.memory_space<hbm>> -> memref<64xi32, #tpu.memory_space<hbm>>
    tpu.enqueue_dma source(%dma_start3A_31 : memref<64xi32, #tpu.memory_space<hbm>>) target(%arg7 : memref<64xi32, #tpu.memory_space<vmem>>) target_semaphore(%arg20 : memref<!tpu.dma_semaphore, #tpu.memory_space<semaphore_mem>>)
    %dma_wait3A = arith.constant 0 : i32
    %dma_wait3A_32 = tpu.memref_slice %arg3[%add3A_4] : memref<2048xi32, #tpu.memory_space<hbm>> -> memref<16xi32, #tpu.memory_space<hbm>>
    %dma_wait3A_33 = tpu.memref_slice %arg17[%dma_wait3A] : memref<4x!tpu.dma_semaphore, #tpu.memory_space<semaphore_mem>> -> memref<1x!tpu.dma_semaphore, #tpu.memory_space<semaphore_mem>>
    %dma_wait3A_34 = tpu.memref_squeeze %dma_wait3A_33 : memref<1x!tpu.dma_semaphore, #tpu.memory_space<semaphore_mem>> -> memref<!tpu.dma_semaphore, #tpu.memory_space<semaphore_mem>>
    %dma_wait3A_35 = tpu.memref_slice %arg3[%add3A_4] : memref<2048xi32, #tpu.memory_space<hbm>> -> memref<16xi32, #tpu.memory_space<hbm>>
    tpu.wait_dma2 semaphore(%dma_wait3A_34 : memref<!tpu.dma_semaphore, #tpu.memory_space<semaphore_mem>>) src(%dma_wait3A_35 : memref<16xi32, #tpu.memory_space<hbm>>) dst(%arg9 : memref<16xi32, #tpu.memory_space<vmem>>)
    %dma_start3A_36 = arith.constant 0 : i32
    %dma_start3A_37 = arith.constant 0 : i32
    %dma_start3A_38 = arith.constant 0 : i32
    %dma_start3A_39 = tpu.memref_slice %arg2[%dma_start3A_37, %dma_start3A_38] : memref<2048x768xf32, #tpu.memory_space<hbm>> -> memref<2048x768xf32, #tpu.memory_space<hbm>>
    %dma_start3A_40 = tpu.memref_slice %arg18[%dma_start3A_36] : memref<4x!tpu.dma_semaphore, #tpu.memory_space<semaphore_mem>> -> memref<1x!tpu.dma_semaphore, #tpu.memory_space<semaphore_mem>>
    %dma_start3A_41 = tpu.memref_squeeze %dma_start3A_40 : memref<1x!tpu.dma_semaphore, #tpu.memory_space<semaphore_mem>> -> memref<!tpu.dma_semaphore, #tpu.memory_space<semaphore_mem>>
    tpu.enqueue_indirect_dma source(%dma_start3A_39 : memref<2048x768xf32, #tpu.memory_space<hbm>>) target(%arg13 : memref<16x768xf32, #tpu.memory_space<vmem>>) offsets(%arg9 : memref<16xi32, #tpu.memory_space<vmem>>) semaphore(%dma_start3A_41 : memref<!tpu.dma_semaphore, #tpu.memory_space<semaphore_mem>>)
    %dma_wait3A_42 = arith.constant 1 : i32
    %dma_wait3A_43 = tpu.memref_slice %arg3[%add3A_10] : memref<2048xi32, #tpu.memory_space<hbm>> -> memref<16xi32, #tpu.memory_space<hbm>>
    %dma_wait3A_44 = tpu.memref_slice %arg17[%dma_wait3A_42] : memref<4x!tpu.dma_semaphore, #tpu.memory_space<semaphore_mem>> -> memref<1x!tpu.dma_semaphore, #tpu.memory_space<semaphore_mem>>
    %dma_wait3A_45 = tpu.memref_squeeze %dma_wait3A_44 : memref<1x!tpu.dma_semaphore, #tpu.memory_space<semaphore_mem>> -> memref<!tpu.dma_semaphore, #tpu.memory_space<semaphore_mem>>
    %dma_wait3A_46 = tpu.memref_slice %arg3[%add3A_10] : memref<2048xi32, #tpu.memory_space<hbm>> -> memref<16xi32, #tpu.memory_space<hbm>>
    tpu.wait_dma2 semaphore(%dma_wait3A_45 : memref<!tpu.dma_semaphore, #tpu.memory_space<semaphore_mem>>) src(%dma_wait3A_46 : memref<16xi32, #tpu.memory_space<hbm>>) dst(%arg10 : memref<16xi32, #tpu.memory_space<vmem>>)
    %dma_start3A_47 = arith.constant 1 : i32
    %dma_start3A_48 = arith.constant 0 : i32
    %dma_start3A_49 = arith.constant 0 : i32
    %dma_start3A_50 = tpu.memref_slice %arg2[%dma_start3A_48, %dma_start3A_49] : memref<2048x768xf32, #tpu.memory_space<hbm>> -> memref<2048x768xf32, #tpu.memory_space<hbm>>
    %dma_start3A_51 = tpu.memref_slice %arg18[%dma_start3A_47] : memref<4x!tpu.dma_semaphore, #tpu.memory_space<semaphore_mem>> -> memref<1x!tpu.dma_semaphore, #tpu.memory_space<semaphore_mem>>
    %dma_start3A_52 = tpu.memref_squeeze %dma_start3A_51 : memref<1x!tpu.dma_semaphore, #tpu.memory_space<semaphore_mem>> -> memref<!tpu.dma_semaphore, #tpu.memory_space<semaphore_mem>>
    tpu.enqueue_indirect_dma source(%dma_start3A_50 : memref<2048x768xf32, #tpu.memory_space<hbm>>) target(%arg14 : memref<16x768xf32, #tpu.memory_space<vmem>>) offsets(%arg10 : memref<16xi32, #tpu.memory_space<vmem>>) semaphore(%dma_start3A_52 : memref<!tpu.dma_semaphore, #tpu.memory_space<semaphore_mem>>)
    %dma_wait3A_53 = arith.constant 2 : i32
    %dma_wait3A_54 = tpu.memref_slice %arg3[%add3A_17] : memref<2048xi32, #tpu.memory_space<hbm>> -> memref<16xi32, #tpu.memory_space<hbm>>
    %dma_wait3A_55 = tpu.memref_slice %arg17[%dma_wait3A_53] : memref<4x!tpu.dma_semaphore, #tpu.memory_space<semaphore_mem>> -> memref<1x!tpu.dma_semaphore, #tpu.memory_space<semaphore_mem>>
    %dma_wait3A_56 = tpu.memref_squeeze %dma_wait3A_55 : memref<1x!tpu.dma_semaphore, #tpu.memory_space<semaphore_mem>> -> memref<!tpu.dma_semaphore, #tpu.memory_space<semaphore_mem>>
    %dma_wait3A_57 = tpu.memref_slice %arg3[%add3A_17] : memref<2048xi32, #tpu.memory_space<hbm>> -> memref<16xi32, #tpu.memory_space<hbm>>
    tpu.wait_dma2 semaphore(%dma_wait3A_56 : memref<!tpu.dma_semaphore, #tpu.memory_space<semaphore_mem>>) src(%dma_wait3A_57 : memref<16xi32, #tpu.memory_space<hbm>>) dst(%arg11 : memref<16xi32, #tpu.memory_space<vmem>>)
    %dma_start3A_58 = arith.constant 2 : i32
    %dma_start3A_59 = arith.constant 0 : i32
    %dma_start3A_60 = arith.constant 0 : i32
    %dma_start3A_61 = tpu.memref_slice %arg2[%dma_start3A_59, %dma_start3A_60] : memref<2048x768xf32, #tpu.memory_space<hbm>> -> memref<2048x768xf32, #tpu.memory_space<hbm>>
    %dma_start3A_62 = tpu.memref_slice %arg18[%dma_start3A_58] : memref<4x!tpu.dma_semaphore, #tpu.memory_space<semaphore_mem>> -> memref<1x!tpu.dma_semaphore, #tpu.memory_space<semaphore_mem>>
    %dma_start3A_63 = tpu.memref_squeeze %dma_start3A_62 : memref<1x!tpu.dma_semaphore, #tpu.memory_space<semaphore_mem>> -> memref<!tpu.dma_semaphore, #tpu.memory_space<semaphore_mem>>
    tpu.enqueue_indirect_dma source(%dma_start3A_61 : memref<2048x768xf32, #tpu.memory_space<hbm>>) target(%arg15 : memref<16x768xf32, #tpu.memory_space<vmem>>) offsets(%arg11 : memref<16xi32, #tpu.memory_space<vmem>>) semaphore(%dma_start3A_63 : memref<!tpu.dma_semaphore, #tpu.memory_space<semaphore_mem>>)
    %dma_wait3A_64 = arith.constant 3 : i32
    %dma_wait3A_65 = tpu.memref_slice %arg3[%add3A_24] : memref<2048xi32, #tpu.memory_space<hbm>> -> memref<16xi32, #tpu.memory_space<hbm>>
    %dma_wait3A_66 = tpu.memref_slice %arg17[%dma_wait3A_64] : memref<4x!tpu.dma_semaphore, #tpu.memory_space<semaphore_mem>> -> memref<1x!tpu.dma_semaphore, #tpu.memory_space<semaphore_mem>>
    %dma_wait3A_67 = tpu.memref_squeeze %dma_wait3A_66 : memref<1x!tpu.dma_semaphore, #tpu.memory_space<semaphore_mem>> -> memref<!tpu.dma_semaphore, #tpu.memory_space<semaphore_mem>>
    %dma_wait3A_68 = tpu.memref_slice %arg3[%add3A_24] : memref<2048xi32, #tpu.memory_space<hbm>> -> memref<16xi32, #tpu.memory_space<hbm>>
    tpu.wait_dma2 semaphore(%dma_wait3A_67 : memref<!tpu.dma_semaphore, #tpu.memory_space<semaphore_mem>>) src(%dma_wait3A_68 : memref<16xi32, #tpu.memory_space<hbm>>) dst(%arg12 : memref<16xi32, #tpu.memory_space<vmem>>)
    %dma_start3A_69 = arith.constant 3 : i32
    %dma_start3A_70 = arith.constant 0 : i32
    %dma_start3A_71 = arith.constant 0 : i32
    %dma_start3A_72 = tpu.memref_slice %arg2[%dma_start3A_70, %dma_start3A_71] : memref<2048x768xf32, #tpu.memory_space<hbm>> -> memref<2048x768xf32, #tpu.memory_space<hbm>>
    %dma_start3A_73 = tpu.memref_slice %arg18[%dma_start3A_69] : memref<4x!tpu.dma_semaphore, #tpu.memory_space<semaphore_mem>> -> memref<1x!tpu.dma_semaphore, #tpu.memory_space<semaphore_mem>>
    %dma_start3A_74 = tpu.memref_squeeze %dma_start3A_73 : memref<1x!tpu.dma_semaphore, #tpu.memory_space<semaphore_mem>> -> memref<!tpu.dma_semaphore, #tpu.memory_space<semaphore_mem>>
    tpu.enqueue_indirect_dma source(%dma_start3A_72 : memref<2048x768xf32, #tpu.memory_space<hbm>>) target(%arg16 : memref<16x768xf32, #tpu.memory_space<vmem>>) offsets(%arg12 : memref<16xi32, #tpu.memory_space<vmem>>) semaphore(%dma_start3A_74 : memref<!tpu.dma_semaphore, #tpu.memory_space<semaphore_mem>>)
    %dma_wait3A_75 = tpu.memref_slice %arg3[%mul3A_2] : memref<2048xi32, #tpu.memory_space<hbm>> -> memref<64xi32, #tpu.memory_space<hbm>>
    %dma_wait3A_76 = tpu.memref_slice %arg3[%mul3A_2] : memref<2048xi32, #tpu.memory_space<hbm>> -> memref<64xi32, #tpu.memory_space<hbm>>
    tpu.wait_dma2 semaphore(%arg20 : memref<!tpu.dma_semaphore, #tpu.memory_space<semaphore_mem>>) src(%dma_wait3A_76 : memref<64xi32, #tpu.memory_space<hbm>>) dst(%arg7 : memref<64xi32, #tpu.memory_space<vmem>>)
    %dma_start3A_77 = arith.constant 0 : i32
    %dma_start3A_78 = arith.constant 0 : i32
    %dma_start3A_79 = tpu.memref_slice %arg4[%dma_start3A_77, %dma_start3A_78] : memref<2048x128xf32, #tpu.memory_space<hbm>> -> memref<2048x128xf32, #tpu.memory_space<hbm>>
    tpu.enqueue_indirect_dma source(%dma_start3A_79 : memref<2048x128xf32, #tpu.memory_space<hbm>>) target(%arg8 : memref<64x128xf32, #tpu.memory_space<vmem>>) offsets(%arg7 : memref<64xi32, #tpu.memory_space<vmem>>) semaphore(%arg20 : memref<!tpu.dma_semaphore, #tpu.memory_space<semaphore_mem>>)
    %dma_wait3A_80 = arith.constant 0 : i32
    %dma_wait3A_81 = arith.constant 0 : i32
    %dma_wait3A_82 = arith.constant 0 : i32
    %dma_wait3A_83 = tpu.memref_slice %arg2[%dma_wait3A_81, %dma_wait3A_82] : memref<2048x768xf32, #tpu.memory_space<hbm>> -> memref<2048x768xf32, #tpu.memory_space<hbm>>
    %dma_wait3A_84 = tpu.memref_slice %arg18[%dma_wait3A_80] : memref<4x!tpu.dma_semaphore, #tpu.memory_space<semaphore_mem>> -> memref<1x!tpu.dma_semaphore, #tpu.memory_space<semaphore_mem>>
    %dma_wait3A_85 = tpu.memref_squeeze %dma_wait3A_84 : memref<1x!tpu.dma_semaphore, #tpu.memory_space<semaphore_mem>> -> memref<!tpu.dma_semaphore, #tpu.memory_space<semaphore_mem>>
    tpu.wait_indirect_dma semaphore(%dma_wait3A_85 : memref<!tpu.dma_semaphore, #tpu.memory_space<semaphore_mem>>) src(%dma_wait3A_83 : memref<2048x768xf32, #tpu.memory_space<hbm>>) dst(%arg13 : memref<16x768xf32, #tpu.memory_space<vmem>>)
    %add3A_86 = arith.constant 0 : i32
    %add3A_87 = arith.addi %mul3A_2, %add3A_86 : i32
    %dma_start3A_88 = arith.constant 0 : i32
    %dma_start3A_89 = arith.constant 0 : i32
    %dma_start3A_90 = tpu.memref_slice %arg5[%add3A_87, %dma_start3A_89] : memref<2048x768xf32, #tpu.memory_space<hbm>> -> memref<16x768xf32, #tpu.memory_space<hbm>>
    %dma_start3A_91 = tpu.memref_slice %arg19[%dma_start3A_88] : memref<4x!tpu.dma_semaphore, #tpu.memory_space<semaphore_mem>> -> memref<1x!tpu.dma_semaphore, #tpu.memory_space<semaphore_mem>>
    %dma_start3A_92 = tpu.memref_squeeze %dma_start3A_91 : memref<1x!tpu.dma_semaphore, #tpu.memory_space<semaphore_mem>> -> memref<!tpu.dma_semaphore, #tpu.memory_space<semaphore_mem>>
    %dma_start3A_93 = arith.constant 0 : i32
    %dma_start3A_94 = tpu.memref_slice %arg5[%add3A_87, %dma_start3A_93] : memref<2048x768xf32, #tpu.memory_space<hbm>> -> memref<16x768xf32, #tpu.memory_space<hbm>>
    tpu.enqueue_dma source(%arg13 : memref<16x768xf32, #tpu.memory_space<vmem>>) target(%dma_start3A_94 : memref<16x768xf32, #tpu.memory_space<hbm>>) target_semaphore(%dma_start3A_92 : memref<!tpu.dma_semaphore, #tpu.memory_space<semaphore_mem>>)
    %dma_wait3A_95 = arith.constant 1 : i32
    %dma_wait3A_96 = arith.constant 0 : i32
    %dma_wait3A_97 = arith.constant 0 : i32
    %dma_wait3A_98 = tpu.memref_slice %arg2[%dma_wait3A_96, %dma_wait3A_97] : memref<2048x768xf32, #tpu.memory_space<hbm>> -> memref<2048x768xf32, #tpu.memory_space<hbm>>
    %dma_wait3A_99 = tpu.memref_slice %arg18[%dma_wait3A_95] : memref<4x!tpu.dma_semaphore, #tpu.memory_space<semaphore_mem>> -> memref<1x!tpu.dma_semaphore, #tpu.memory_space<semaphore_mem>>
    %dma_wait3A_100 = tpu.memref_squeeze %dma_wait3A_99 : memref<1x!tpu.dma_semaphore, #tpu.memory_space<semaphore_mem>> -> memref<!tpu.dma_semaphore, #tpu.memory_space<semaphore_mem>>
    tpu.wait_indirect_dma semaphore(%dma_wait3A_100 : memref<!tpu.dma_semaphore, #tpu.memory_space<semaphore_mem>>) src(%dma_wait3A_98 : memref<2048x768xf32, #tpu.memory_space<hbm>>) dst(%arg14 : memref<16x768xf32, #tpu.memory_space<vmem>>)
    %add3A_101 = arith.constant 16 : i32
    %add3A_102 = arith.addi %mul3A_2, %add3A_101 : i32
    %dma_start3A_103 = arith.constant 1 : i32
    %dma_start3A_104 = arith.constant 0 : i32
    %dma_start3A_105 = tpu.memref_slice %arg5[%add3A_102, %dma_start3A_104] : memref<2048x768xf32, #tpu.memory_space<hbm>> -> memref<16x768xf32, #tpu.memory_space<hbm>>
    %dma_start3A_106 = tpu.memref_slice %arg19[%dma_start3A_103] : memref<4x!tpu.dma_semaphore, #tpu.memory_space<semaphore_mem>> -> memref<1x!tpu.dma_semaphore, #tpu.memory_space<semaphore_mem>>
    %dma_start3A_107 = tpu.memref_squeeze %dma_start3A_106 : memref<1x!tpu.dma_semaphore, #tpu.memory_space<semaphore_mem>> -> memref<!tpu.dma_semaphore, #tpu.memory_space<semaphore_mem>>
    %dma_start3A_108 = arith.constant 0 : i32
    %dma_start3A_109 = tpu.memref_slice %arg5[%add3A_102, %dma_start3A_108] : memref<2048x768xf32, #tpu.memory_space<hbm>> -> memref<16x768xf32, #tpu.memory_space<hbm>>
    tpu.enqueue_dma source(%arg14 : memref<16x768xf32, #tpu.memory_space<vmem>>) target(%dma_start3A_109 : memref<16x768xf32, #tpu.memory_space<hbm>>) target_semaphore(%dma_start3A_107 : memref<!tpu.dma_semaphore, #tpu.memory_space<semaphore_mem>>)
    %dma_wait3A_110 = arith.constant 2 : i32
    %dma_wait3A_111 = arith.constant 0 : i32
    %dma_wait3A_112 = arith.constant 0 : i32
    %dma_wait3A_113 = tpu.memref_slice %arg2[%dma_wait3A_111, %dma_wait3A_112] : memref<2048x768xf32, #tpu.memory_space<hbm>> -> memref<2048x768xf32, #tpu.memory_space<hbm>>
    %dma_wait3A_114 = tpu.memref_slice %arg18[%dma_wait3A_110] : memref<4x!tpu.dma_semaphore, #tpu.memory_space<semaphore_mem>> -> memref<1x!tpu.dma_semaphore, #tpu.memory_space<semaphore_mem>>
    %dma_wait3A_115 = tpu.memref_squeeze %dma_wait3A_114 : memref<1x!tpu.dma_semaphore, #tpu.memory_space<semaphore_mem>> -> memref<!tpu.dma_semaphore, #tpu.memory_space<semaphore_mem>>
    tpu.wait_indirect_dma semaphore(%dma_wait3A_115 : memref<!tpu.dma_semaphore, #tpu.memory_space<semaphore_mem>>) src(%dma_wait3A_113 : memref<2048x768xf32, #tpu.memory_space<hbm>>) dst(%arg15 : memref<16x768xf32, #tpu.memory_space<vmem>>)
    %add3A_116 = arith.constant 32 : i32
    %add3A_117 = arith.addi %mul3A_2, %add3A_116 : i32
    %dma_start3A_118 = arith.constant 2 : i32
    %dma_start3A_119 = arith.constant 0 : i32
    %dma_start3A_120 = tpu.memref_slice %arg5[%add3A_117, %dma_start3A_119] : memref<2048x768xf32, #tpu.memory_space<hbm>> -> memref<16x768xf32, #tpu.memory_space<hbm>>
    %dma_start3A_121 = tpu.memref_slice %arg19[%dma_start3A_118] : memref<4x!tpu.dma_semaphore, #tpu.memory_space<semaphore_mem>> -> memref<1x!tpu.dma_semaphore, #tpu.memory_space<semaphore_mem>>
    %dma_start3A_122 = tpu.memref_squeeze %dma_start3A_121 : memref<1x!tpu.dma_semaphore, #tpu.memory_space<semaphore_mem>> -> memref<!tpu.dma_semaphore, #tpu.memory_space<semaphore_mem>>
    %dma_start3A_123 = arith.constant 0 : i32
    %dma_start3A_124 = tpu.memref_slice %arg5[%add3A_117, %dma_start3A_123] : memref<2048x768xf32, #tpu.memory_space<hbm>> -> memref<16x768xf32, #tpu.memory_space<hbm>>
    tpu.enqueue_dma source(%arg15 : memref<16x768xf32, #tpu.memory_space<vmem>>) target(%dma_start3A_124 : memref<16x768xf32, #tpu.memory_space<hbm>>) target_semaphore(%dma_start3A_122 : memref<!tpu.dma_semaphore, #tpu.memory_space<semaphore_mem>>)
    %dma_wait3A_125 = arith.constant 3 : i32
    %dma_wait3A_126 = arith.constant 0 : i32
    %dma_wait3A_127 = arith.constant 0 : i32
    %dma_wait3A_128 = tpu.memref_slice %arg2[%dma_wait3A_126, %dma_wait3A_127] : memref<2048x768xf32, #tpu.memory_space<hbm>> -> memref<2048x768xf32, #tpu.memory_space<hbm>>
    %dma_wait3A_129 = tpu.memref_slice %arg18[%dma_wait3A_125] : memref<4x!tpu.dma_semaphore, #tpu.memory_space<semaphore_mem>> -> memref<1x!tpu.dma_semaphore, #tpu.memory_space<semaphore_mem>>
    %dma_wait3A_130 = tpu.memref_squeeze %dma_wait3A_129 : memref<1x!tpu.dma_semaphore, #tpu.memory_space<semaphore_mem>> -> memref<!tpu.dma_semaphore, #tpu.memory_space<semaphore_mem>>
    tpu.wait_indirect_dma semaphore(%dma_wait3A_130 : memref<!tpu.dma_semaphore, #tpu.memory_space<semaphore_mem>>) src(%dma_wait3A_128 : memref<2048x768xf32, #tpu.memory_space<hbm>>) dst(%arg16 : memref<16x768xf32, #tpu.memory_space<vmem>>)
    %add3A_131 = arith.constant 48 : i32
    %add3A_132 = arith.addi %mul3A_2, %add3A_131 : i32
    %dma_start3A_133 = arith.constant 3 : i32
    %dma_start3A_134 = arith.constant 0 : i32
    %dma_start3A_135 = tpu.memref_slice %arg5[%add3A_132, %dma_start3A_134] : memref<2048x768xf32, #tpu.memory_space<hbm>> -> memref<16x768xf32, #tpu.memory_space<hbm>>
    %dma_start3A_136 = tpu.memref_slice %arg19[%dma_start3A_133] : memref<4x!tpu.dma_semaphore, #tpu.memory_space<semaphore_mem>> -> memref<1x!tpu.dma_semaphore, #tpu.memory_space<semaphore_mem>>
    %dma_start3A_137 = tpu.memref_squeeze %dma_start3A_136 : memref<1x!tpu.dma_semaphore, #tpu.memory_space<semaphore_mem>> -> memref<!tpu.dma_semaphore, #tpu.memory_space<semaphore_mem>>
    %dma_start3A_138 = arith.constant 0 : i32
    %dma_start3A_139 = tpu.memref_slice %arg5[%add3A_132, %dma_start3A_138] : memref<2048x768xf32, #tpu.memory_space<hbm>> -> memref<16x768xf32, #tpu.memory_space<hbm>>
    tpu.enqueue_dma source(%arg16 : memref<16x768xf32, #tpu.memory_space<vmem>>) target(%dma_start3A_139 : memref<16x768xf32, #tpu.memory_space<hbm>>) target_semaphore(%dma_start3A_137 : memref<!tpu.dma_semaphore, #tpu.memory_space<semaphore_mem>>)
    %dma_wait3A_140 = arith.constant 0 : i32
    %dma_wait3A_141 = arith.constant 0 : i32
    %dma_wait3A_142 = tpu.memref_slice %arg4[%dma_wait3A_140, %dma_wait3A_141] : memref<2048x128xf32, #tpu.memory_space<hbm>> -> memref<2048x128xf32, #tpu.memory_space<hbm>>
    tpu.wait_indirect_dma semaphore(%arg20 : memref<!tpu.dma_semaphore, #tpu.memory_space<semaphore_mem>>) src(%dma_wait3A_142 : memref<2048x128xf32, #tpu.memory_space<hbm>>) dst(%arg8 : memref<64x128xf32, #tpu.memory_space<vmem>>)
    %dma_start3A_143 = arith.constant 0 : i32
    %dma_start3A_144 = tpu.memref_slice %arg6[%mul3A_2, %dma_start3A_143] : memref<2048x128xf32, #tpu.memory_space<hbm>> -> memref<64x128xf32, #tpu.memory_space<hbm>>
    %dma_start3A_145 = arith.constant 0 : i32
    %dma_start3A_146 = tpu.memref_slice %arg6[%mul3A_2, %dma_start3A_145] : memref<2048x128xf32, #tpu.memory_space<hbm>> -> memref<64x128xf32, #tpu.memory_space<hbm>>
    tpu.enqueue_dma source(%arg8 : memref<64x128xf32, #tpu.memory_space<vmem>>) target(%dma_start3A_146 : memref<64x128xf32, #tpu.memory_space<hbm>>) target_semaphore(%arg20 : memref<!tpu.dma_semaphore, #tpu.memory_space<semaphore_mem>>)
    %dma_wait3A_147 = arith.constant 0 : i32
    %dma_wait3A_148 = arith.constant 0 : i32
    %dma_wait3A_149 = tpu.memref_slice %arg5[%add3A_87, %dma_wait3A_148] : memref<2048x768xf32, #tpu.memory_space<hbm>> -> memref<16x768xf32, #tpu.memory_space<hbm>>
    %dma_wait3A_150 = tpu.memref_slice %arg19[%dma_wait3A_147] : memref<4x!tpu.dma_semaphore, #tpu.memory_space<semaphore_mem>> -> memref<1x!tpu.dma_semaphore, #tpu.memory_space<semaphore_mem>>
    %dma_wait3A_151 = tpu.memref_squeeze %dma_wait3A_150 : memref<1x!tpu.dma_semaphore, #tpu.memory_space<semaphore_mem>> -> memref<!tpu.dma_semaphore, #tpu.memory_space<semaphore_mem>>
    %dma_wait3A_152 = arith.constant 0 : i32
    %dma_wait3A_153 = tpu.memref_slice %arg5[%add3A_87, %dma_wait3A_152] : memref<2048x768xf32, #tpu.memory_space<hbm>> -> memref<16x768xf32, #tpu.memory_space<hbm>>
    tpu.wait_dma2 semaphore(%dma_wait3A_151 : memref<!tpu.dma_semaphore, #tpu.memory_space<semaphore_mem>>) src(%arg13 : memref<16x768xf32, #tpu.memory_space<vmem>>) dst(%dma_wait3A_153 : memref<16x768xf32, #tpu.memory_space<hbm>>)
    %dma_wait3A_154 = arith.constant 1 : i32
    %dma_wait3A_155 = arith.constant 0 : i32
    %dma_wait3A_156 = tpu.memref_slice %arg5[%add3A_102, %dma_wait3A_155] : memref<2048x768xf32, #tpu.memory_space<hbm>> -> memref<16x768xf32, #tpu.memory_space<hbm>>
    %dma_wait3A_157 = tpu.memref_slice %arg19[%dma_wait3A_154] : memref<4x!tpu.dma_semaphore, #tpu.memory_space<semaphore_mem>> -> memref<1x!tpu.dma_semaphore, #tpu.memory_space<semaphore_mem>>
    %dma_wait3A_158 = tpu.memref_squeeze %dma_wait3A_157 : memref<1x!tpu.dma_semaphore, #tpu.memory_space<semaphore_mem>> -> memref<!tpu.dma_semaphore, #tpu.memory_space<semaphore_mem>>
    %dma_wait3A_159 = arith.constant 0 : i32
    %dma_wait3A_160 = tpu.memref_slice %arg5[%add3A_102, %dma_wait3A_159] : memref<2048x768xf32, #tpu.memory_space<hbm>> -> memref<16x768xf32, #tpu.memory_space<hbm>>
    tpu.wait_dma2 semaphore(%dma_wait3A_158 : memref<!tpu.dma_semaphore, #tpu.memory_space<semaphore_mem>>) src(%arg14 : memref<16x768xf32, #tpu.memory_space<vmem>>) dst(%dma_wait3A_160 : memref<16x768xf32, #tpu.memory_space<hbm>>)
    %dma_wait3A_161 = arith.constant 2 : i32
    %dma_wait3A_162 = arith.constant 0 : i32
    %dma_wait3A_163 = tpu.memref_slice %arg5[%add3A_117, %dma_wait3A_162] : memref<2048x768xf32, #tpu.memory_space<hbm>> -> memref<16x768xf32, #tpu.memory_space<hbm>>
    %dma_wait3A_164 = tpu.memref_slice %arg19[%dma_wait3A_161] : memref<4x!tpu.dma_semaphore, #tpu.memory_space<semaphore_mem>> -> memref<1x!tpu.dma_semaphore, #tpu.memory_space<semaphore_mem>>
    %dma_wait3A_165 = tpu.memref_squeeze %dma_wait3A_164 : memref<1x!tpu.dma_semaphore, #tpu.memory_space<semaphore_mem>> -> memref<!tpu.dma_semaphore, #tpu.memory_space<semaphore_mem>>
    %dma_wait3A_166 = arith.constant 0 : i32
    %dma_wait3A_167 = tpu.memref_slice %arg5[%add3A_117, %dma_wait3A_166] : memref<2048x768xf32, #tpu.memory_space<hbm>> -> memref<16x768xf32, #tpu.memory_space<hbm>>
    tpu.wait_dma2 semaphore(%dma_wait3A_165 : memref<!tpu.dma_semaphore, #tpu.memory_space<semaphore_mem>>) src(%arg15 : memref<16x768xf32, #tpu.memory_space<vmem>>) dst(%dma_wait3A_167 : memref<16x768xf32, #tpu.memory_space<hbm>>)
    %dma_wait3A_168 = arith.constant 3 : i32
    %dma_wait3A_169 = arith.constant 0 : i32
    %dma_wait3A_170 = tpu.memref_slice %arg5[%add3A_132, %dma_wait3A_169] : memref<2048x768xf32, #tpu.memory_space<hbm>> -> memref<16x768xf32, #tpu.memory_space<hbm>>
    %dma_wait3A_171 = tpu.memref_slice %arg19[%dma_wait3A_168] : memref<4x!tpu.dma_semaphore, #tpu.memory_space<semaphore_mem>> -> memref<1x!tpu.dma_semaphore, #tpu.memory_space<semaphore_mem>>
    %dma_wait3A_172 = tpu.memref_squeeze %dma_wait3A_171 : memref<1x!tpu.dma_semaphore, #tpu.memory_space<semaphore_mem>> -> memref<!tpu.dma_semaphore, #tpu.memory_space<semaphore_mem>>
    %dma_wait3A_173 = arith.constant 0 : i32
    %dma_wait3A_174 = tpu.memref_slice %arg5[%add3A_132, %dma_wait3A_173] : memref<2048x768xf32, #tpu.memory_space<hbm>> -> memref<16x768xf32, #tpu.memory_space<hbm>>
    tpu.wait_dma2 semaphore(%dma_wait3A_172 : memref<!tpu.dma_semaphore, #tpu.memory_space<semaphore_mem>>) src(%arg16 : memref<16x768xf32, #tpu.memory_space<vmem>>) dst(%dma_wait3A_174 : memref<16x768xf32, #tpu.memory_space<hbm>>)
    %dma_wait3A_175 = arith.constant 0 : i32
    %dma_wait3A_176 = tpu.memref_slice %arg6[%mul3A_2, %dma_wait3A_175] : memref<2048x128xf32, #tpu.memory_space<hbm>> -> memref<64x128xf32, #tpu.memory_space<hbm>>
    %dma_wait3A_177 = arith.constant 0 : i32
    %dma_wait3A_178 = tpu.memref_slice %arg6[%mul3A_2, %dma_wait3A_177] : memref<2048x128xf32, #tpu.memory_space<hbm>> -> memref<64x128xf32, #tpu.memory_space<hbm>>
    tpu.wait_dma2 semaphore(%arg20 : memref<!tpu.dma_semaphore, #tpu.memory_space<semaphore_mem>>) src(%arg8 : memref<64x128xf32, #tpu.memory_space<vmem>>) dst(%dma_wait3A_178 : memref<64x128xf32, #tpu.memory_space<hbm>>)
    return
  }
}

#map = affine_map<(d0, d1) -> (0, 0)>
#map1 = affine_map<(d0, d1) -> (0)>
module attributes {stable_mosaic.version = 14 : i64} {
  func.func @_scatter_body(%arg0: i32, %arg1: i32, %arg2: memref<2048x768xf32, #tpu.memory_space<hbm>>, %arg3: memref<2048xi32, #tpu.memory_space<hbm>>, %arg4: memref<2048x768xf32, #tpu.memory_space<hbm>>, %arg5: memref<16xi32, #tpu.memory_space<vmem>>, %arg6: memref<16xi32, #tpu.memory_space<vmem>>, %arg7: memref<16xi32, #tpu.memory_space<vmem>>, %arg8: memref<16xi32, #tpu.memory_space<vmem>>, %arg9: memref<16x768xf32, #tpu.memory_space<vmem>>, %arg10: memref<16x768xf32, #tpu.memory_space<vmem>>, %arg11: memref<16x768xf32, #tpu.memory_space<vmem>>, %arg12: memref<16x768xf32, #tpu.memory_space<vmem>>, %arg13: memref<4x!tpu.dma_semaphore, #tpu.memory_space<semaphore_mem>>, %arg14: memref<4x!tpu.dma_semaphore, #tpu.memory_space<semaphore_mem>>, %arg15: memref<4x!tpu.dma_semaphore, #tpu.memory_space<semaphore_mem>>) attributes {dimension_semantics = [#tpu.dimension_semantics<core_parallel>, #tpu.dimension_semantics<subcore_parallel>], iteration_bounds = array<i64: 2, 16>, scalar_prefetch = 0 : i64, scratch_operands = 11 : i64, tpu.core_type = #tpu.core_type<sc_vector_subcore>, window_params = [{transform_indices = #map}, {transform_indices = #map1}, {transform_indices = #map}]} {
    %mul3A = arith.constant 2 : i32
    %mul3A_0 = arith.muli %arg1, %mul3A : i32
    %add3A = arith.addi %mul3A_0, %arg0 : i32
    %mul3A_1 = arith.constant 64 : i32
    %mul3A_2 = arith.muli %add3A, %mul3A_1 : i32
    %add3A_3 = arith.constant 0 : i32
    %add3A_4 = arith.addi %mul3A_2, %add3A_3 : i32
    %dma_start3A = arith.constant 0 : i32
    %dma_start3A_5 = tpu.memref_slice %arg3[%add3A_4] : memref<2048xi32, #tpu.memory_space<hbm>> -> memref<16xi32, #tpu.memory_space<hbm>>
    %dma_start3A_6 = tpu.memref_slice %arg13[%dma_start3A] : memref<4x!tpu.dma_semaphore, #tpu.memory_space<semaphore_mem>> -> memref<1x!tpu.dma_semaphore, #tpu.memory_space<semaphore_mem>>
    %dma_start3A_7 = tpu.memref_squeeze %dma_start3A_6 : memref<1x!tpu.dma_semaphore, #tpu.memory_space<semaphore_mem>> -> memref<!tpu.dma_semaphore, #tpu.memory_space<semaphore_mem>>
    %dma_start3A_8 = tpu.memref_slice %arg3[%add3A_4] : memref<2048xi32, #tpu.memory_space<hbm>> -> memref<16xi32, #tpu.memory_space<hbm>>
    tpu.enqueue_dma source(%dma_start3A_8 : memref<16xi32, #tpu.memory_space<hbm>>) target(%arg5 : memref<16xi32, #tpu.memory_space<vmem>>) target_semaphore(%dma_start3A_7 : memref<!tpu.dma_semaphore, #tpu.memory_space<semaphore_mem>>)
    %add3A_9 = arith.constant 16 : i32
    %add3A_10 = arith.addi %mul3A_2, %add3A_9 : i32
    %dma_start3A_11 = arith.constant 1 : i32
    %dma_start3A_12 = tpu.memref_slice %arg3[%add3A_10] : memref<2048xi32, #tpu.memory_space<hbm>> -> memref<16xi32, #tpu.memory_space<hbm>>
    %dma_start3A_13 = tpu.memref_slice %arg13[%dma_start3A_11] : memref<4x!tpu.dma_semaphore, #tpu.memory_space<semaphore_mem>> -> memref<1x!tpu.dma_semaphore, #tpu.memory_space<semaphore_mem>>
    %dma_start3A_14 = tpu.memref_squeeze %dma_start3A_13 : memref<1x!tpu.dma_semaphore, #tpu.memory_space<semaphore_mem>> -> memref<!tpu.dma_semaphore, #tpu.memory_space<semaphore_mem>>
    %dma_start3A_15 = tpu.memref_slice %arg3[%add3A_10] : memref<2048xi32, #tpu.memory_space<hbm>> -> memref<16xi32, #tpu.memory_space<hbm>>
    tpu.enqueue_dma source(%dma_start3A_15 : memref<16xi32, #tpu.memory_space<hbm>>) target(%arg6 : memref<16xi32, #tpu.memory_space<vmem>>) target_semaphore(%dma_start3A_14 : memref<!tpu.dma_semaphore, #tpu.memory_space<semaphore_mem>>)
    %add3A_16 = arith.constant 32 : i32
    %add3A_17 = arith.addi %mul3A_2, %add3A_16 : i32
    %dma_start3A_18 = arith.constant 2 : i32
    %dma_start3A_19 = tpu.memref_slice %arg3[%add3A_17] : memref<2048xi32, #tpu.memory_space<hbm>> -> memref<16xi32, #tpu.memory_space<hbm>>
    %dma_start3A_20 = tpu.memref_slice %arg13[%dma_start3A_18] : memref<4x!tpu.dma_semaphore, #tpu.memory_space<semaphore_mem>> -> memref<1x!tpu.dma_semaphore, #tpu.memory_space<semaphore_mem>>
    %dma_start3A_21 = tpu.memref_squeeze %dma_start3A_20 : memref<1x!tpu.dma_semaphore, #tpu.memory_space<semaphore_mem>> -> memref<!tpu.dma_semaphore, #tpu.memory_space<semaphore_mem>>
    %dma_start3A_22 = tpu.memref_slice %arg3[%add3A_17] : memref<2048xi32, #tpu.memory_space<hbm>> -> memref<16xi32, #tpu.memory_space<hbm>>
    tpu.enqueue_dma source(%dma_start3A_22 : memref<16xi32, #tpu.memory_space<hbm>>) target(%arg7 : memref<16xi32, #tpu.memory_space<vmem>>) target_semaphore(%dma_start3A_21 : memref<!tpu.dma_semaphore, #tpu.memory_space<semaphore_mem>>)
    %add3A_23 = arith.constant 48 : i32
    %add3A_24 = arith.addi %mul3A_2, %add3A_23 : i32
    %dma_start3A_25 = arith.constant 3 : i32
    %dma_start3A_26 = tpu.memref_slice %arg3[%add3A_24] : memref<2048xi32, #tpu.memory_space<hbm>> -> memref<16xi32, #tpu.memory_space<hbm>>
    %dma_start3A_27 = tpu.memref_slice %arg13[%dma_start3A_25] : memref<4x!tpu.dma_semaphore, #tpu.memory_space<semaphore_mem>> -> memref<1x!tpu.dma_semaphore, #tpu.memory_space<semaphore_mem>>
    %dma_start3A_28 = tpu.memref_squeeze %dma_start3A_27 : memref<1x!tpu.dma_semaphore, #tpu.memory_space<semaphore_mem>> -> memref<!tpu.dma_semaphore, #tpu.memory_space<semaphore_mem>>
    %dma_start3A_29 = tpu.memref_slice %arg3[%add3A_24] : memref<2048xi32, #tpu.memory_space<hbm>> -> memref<16xi32, #tpu.memory_space<hbm>>
    tpu.enqueue_dma source(%dma_start3A_29 : memref<16xi32, #tpu.memory_space<hbm>>) target(%arg8 : memref<16xi32, #tpu.memory_space<vmem>>) target_semaphore(%dma_start3A_28 : memref<!tpu.dma_semaphore, #tpu.memory_space<semaphore_mem>>)
    %add3A_30 = arith.constant 0 : i32
    %add3A_31 = arith.addi %mul3A_2, %add3A_30 : i32
    %dma_start3A_32 = arith.constant 0 : i32
    %dma_start3A_33 = arith.constant 0 : i32
    %dma_start3A_34 = tpu.memref_slice %arg2[%add3A_31, %dma_start3A_33] : memref<2048x768xf32, #tpu.memory_space<hbm>> -> memref<16x768xf32, #tpu.memory_space<hbm>>
    %dma_start3A_35 = tpu.memref_slice %arg14[%dma_start3A_32] : memref<4x!tpu.dma_semaphore, #tpu.memory_space<semaphore_mem>> -> memref<1x!tpu.dma_semaphore, #tpu.memory_space<semaphore_mem>>
    %dma_start3A_36 = tpu.memref_squeeze %dma_start3A_35 : memref<1x!tpu.dma_semaphore, #tpu.memory_space<semaphore_mem>> -> memref<!tpu.dma_semaphore, #tpu.memory_space<semaphore_mem>>
    %dma_start3A_37 = arith.constant 0 : i32
    %dma_start3A_38 = tpu.memref_slice %arg2[%add3A_31, %dma_start3A_37] : memref<2048x768xf32, #tpu.memory_space<hbm>> -> memref<16x768xf32, #tpu.memory_space<hbm>>
    tpu.enqueue_dma source(%dma_start3A_38 : memref<16x768xf32, #tpu.memory_space<hbm>>) target(%arg9 : memref<16x768xf32, #tpu.memory_space<vmem>>) target_semaphore(%dma_start3A_36 : memref<!tpu.dma_semaphore, #tpu.memory_space<semaphore_mem>>)
    %add3A_39 = arith.constant 16 : i32
    %add3A_40 = arith.addi %mul3A_2, %add3A_39 : i32
    %dma_start3A_41 = arith.constant 1 : i32
    %dma_start3A_42 = arith.constant 0 : i32
    %dma_start3A_43 = tpu.memref_slice %arg2[%add3A_40, %dma_start3A_42] : memref<2048x768xf32, #tpu.memory_space<hbm>> -> memref<16x768xf32, #tpu.memory_space<hbm>>
    %dma_start3A_44 = tpu.memref_slice %arg14[%dma_start3A_41] : memref<4x!tpu.dma_semaphore, #tpu.memory_space<semaphore_mem>> -> memref<1x!tpu.dma_semaphore, #tpu.memory_space<semaphore_mem>>
    %dma_start3A_45 = tpu.memref_squeeze %dma_start3A_44 : memref<1x!tpu.dma_semaphore, #tpu.memory_space<semaphore_mem>> -> memref<!tpu.dma_semaphore, #tpu.memory_space<semaphore_mem>>
    %dma_start3A_46 = arith.constant 0 : i32
    %dma_start3A_47 = tpu.memref_slice %arg2[%add3A_40, %dma_start3A_46] : memref<2048x768xf32, #tpu.memory_space<hbm>> -> memref<16x768xf32, #tpu.memory_space<hbm>>
    tpu.enqueue_dma source(%dma_start3A_47 : memref<16x768xf32, #tpu.memory_space<hbm>>) target(%arg10 : memref<16x768xf32, #tpu.memory_space<vmem>>) target_semaphore(%dma_start3A_45 : memref<!tpu.dma_semaphore, #tpu.memory_space<semaphore_mem>>)
    %add3A_48 = arith.constant 32 : i32
    %add3A_49 = arith.addi %mul3A_2, %add3A_48 : i32
    %dma_start3A_50 = arith.constant 2 : i32
    %dma_start3A_51 = arith.constant 0 : i32
    %dma_start3A_52 = tpu.memref_slice %arg2[%add3A_49, %dma_start3A_51] : memref<2048x768xf32, #tpu.memory_space<hbm>> -> memref<16x768xf32, #tpu.memory_space<hbm>>
    %dma_start3A_53 = tpu.memref_slice %arg14[%dma_start3A_50] : memref<4x!tpu.dma_semaphore, #tpu.memory_space<semaphore_mem>> -> memref<1x!tpu.dma_semaphore, #tpu.memory_space<semaphore_mem>>
    %dma_start3A_54 = tpu.memref_squeeze %dma_start3A_53 : memref<1x!tpu.dma_semaphore, #tpu.memory_space<semaphore_mem>> -> memref<!tpu.dma_semaphore, #tpu.memory_space<semaphore_mem>>
    %dma_start3A_55 = arith.constant 0 : i32
    %dma_start3A_56 = tpu.memref_slice %arg2[%add3A_49, %dma_start3A_55] : memref<2048x768xf32, #tpu.memory_space<hbm>> -> memref<16x768xf32, #tpu.memory_space<hbm>>
    tpu.enqueue_dma source(%dma_start3A_56 : memref<16x768xf32, #tpu.memory_space<hbm>>) target(%arg11 : memref<16x768xf32, #tpu.memory_space<vmem>>) target_semaphore(%dma_start3A_54 : memref<!tpu.dma_semaphore, #tpu.memory_space<semaphore_mem>>)
    %add3A_57 = arith.constant 48 : i32
    %add3A_58 = arith.addi %mul3A_2, %add3A_57 : i32
    %dma_start3A_59 = arith.constant 3 : i32
    %dma_start3A_60 = arith.constant 0 : i32
    %dma_start3A_61 = tpu.memref_slice %arg2[%add3A_58, %dma_start3A_60] : memref<2048x768xf32, #tpu.memory_space<hbm>> -> memref<16x768xf32, #tpu.memory_space<hbm>>
    %dma_start3A_62 = tpu.memref_slice %arg14[%dma_start3A_59] : memref<4x!tpu.dma_semaphore, #tpu.memory_space<semaphore_mem>> -> memref<1x!tpu.dma_semaphore, #tpu.memory_space<semaphore_mem>>
    %dma_start3A_63 = tpu.memref_squeeze %dma_start3A_62 : memref<1x!tpu.dma_semaphore, #tpu.memory_space<semaphore_mem>> -> memref<!tpu.dma_semaphore, #tpu.memory_space<semaphore_mem>>
    %dma_start3A_64 = arith.constant 0 : i32
    %dma_start3A_65 = tpu.memref_slice %arg2[%add3A_58, %dma_start3A_64] : memref<2048x768xf32, #tpu.memory_space<hbm>> -> memref<16x768xf32, #tpu.memory_space<hbm>>
    tpu.enqueue_dma source(%dma_start3A_65 : memref<16x768xf32, #tpu.memory_space<hbm>>) target(%arg12 : memref<16x768xf32, #tpu.memory_space<vmem>>) target_semaphore(%dma_start3A_63 : memref<!tpu.dma_semaphore, #tpu.memory_space<semaphore_mem>>)
    %dma_wait3A = arith.constant 0 : i32
    %dma_wait3A_66 = tpu.memref_slice %arg3[%add3A_4] : memref<2048xi32, #tpu.memory_space<hbm>> -> memref<16xi32, #tpu.memory_space<hbm>>
    %dma_wait3A_67 = tpu.memref_slice %arg13[%dma_wait3A] : memref<4x!tpu.dma_semaphore, #tpu.memory_space<semaphore_mem>> -> memref<1x!tpu.dma_semaphore, #tpu.memory_space<semaphore_mem>>
    %dma_wait3A_68 = tpu.memref_squeeze %dma_wait3A_67 : memref<1x!tpu.dma_semaphore, #tpu.memory_space<semaphore_mem>> -> memref<!tpu.dma_semaphore, #tpu.memory_space<semaphore_mem>>
    %dma_wait3A_69 = tpu.memref_slice %arg3[%add3A_4] : memref<2048xi32, #tpu.memory_space<hbm>> -> memref<16xi32, #tpu.memory_space<hbm>>
    tpu.wait_dma2 semaphore(%dma_wait3A_68 : memref<!tpu.dma_semaphore, #tpu.memory_space<semaphore_mem>>) src(%dma_wait3A_69 : memref<16xi32, #tpu.memory_space<hbm>>) dst(%arg5 : memref<16xi32, #tpu.memory_space<vmem>>)
    %dma_wait3A_70 = arith.constant 0 : i32
    %dma_wait3A_71 = arith.constant 0 : i32
    %dma_wait3A_72 = tpu.memref_slice %arg2[%add3A_31, %dma_wait3A_71] : memref<2048x768xf32, #tpu.memory_space<hbm>> -> memref<16x768xf32, #tpu.memory_space<hbm>>
    %dma_wait3A_73 = tpu.memref_slice %arg14[%dma_wait3A_70] : memref<4x!tpu.dma_semaphore, #tpu.memory_space<semaphore_mem>> -> memref<1x!tpu.dma_semaphore, #tpu.memory_space<semaphore_mem>>
    %dma_wait3A_74 = tpu.memref_squeeze %dma_wait3A_73 : memref<1x!tpu.dma_semaphore, #tpu.memory_space<semaphore_mem>> -> memref<!tpu.dma_semaphore, #tpu.memory_space<semaphore_mem>>
    %dma_wait3A_75 = arith.constant 0 : i32
    %dma_wait3A_76 = tpu.memref_slice %arg2[%add3A_31, %dma_wait3A_75] : memref<2048x768xf32, #tpu.memory_space<hbm>> -> memref<16x768xf32, #tpu.memory_space<hbm>>
    tpu.wait_dma2 semaphore(%dma_wait3A_74 : memref<!tpu.dma_semaphore, #tpu.memory_space<semaphore_mem>>) src(%dma_wait3A_76 : memref<16x768xf32, #tpu.memory_space<hbm>>) dst(%arg9 : memref<16x768xf32, #tpu.memory_space<vmem>>)
    %dma_start3A_77 = arith.constant 0 : i32
    %dma_start3A_78 = arith.constant 0 : i32
    %dma_start3A_79 = arith.constant 0 : i32
    %dma_start3A_80 = tpu.memref_slice %arg4[%dma_start3A_78, %dma_start3A_79] : memref<2048x768xf32, #tpu.memory_space<hbm>> -> memref<2048x768xf32, #tpu.memory_space<hbm>>
    %dma_start3A_81 = tpu.memref_slice %arg15[%dma_start3A_77] : memref<4x!tpu.dma_semaphore, #tpu.memory_space<semaphore_mem>> -> memref<1x!tpu.dma_semaphore, #tpu.memory_space<semaphore_mem>>
    %dma_start3A_82 = tpu.memref_squeeze %dma_start3A_81 : memref<1x!tpu.dma_semaphore, #tpu.memory_space<semaphore_mem>> -> memref<!tpu.dma_semaphore, #tpu.memory_space<semaphore_mem>>
    tpu.enqueue_indirect_dma source(%arg9 : memref<16x768xf32, #tpu.memory_space<vmem>>) target(%dma_start3A_80 : memref<2048x768xf32, #tpu.memory_space<hbm>>) offsets(%arg5 : memref<16xi32, #tpu.memory_space<vmem>>) semaphore(%dma_start3A_82 : memref<!tpu.dma_semaphore, #tpu.memory_space<semaphore_mem>>)
    %dma_wait3A_83 = arith.constant 1 : i32
    %dma_wait3A_84 = tpu.memref_slice %arg3[%add3A_10] : memref<2048xi32, #tpu.memory_space<hbm>> -> memref<16xi32, #tpu.memory_space<hbm>>
    %dma_wait3A_85 = tpu.memref_slice %arg13[%dma_wait3A_83] : memref<4x!tpu.dma_semaphore, #tpu.memory_space<semaphore_mem>> -> memref<1x!tpu.dma_semaphore, #tpu.memory_space<semaphore_mem>>
    %dma_wait3A_86 = tpu.memref_squeeze %dma_wait3A_85 : memref<1x!tpu.dma_semaphore, #tpu.memory_space<semaphore_mem>> -> memref<!tpu.dma_semaphore, #tpu.memory_space<semaphore_mem>>
    %dma_wait3A_87 = tpu.memref_slice %arg3[%add3A_10] : memref<2048xi32, #tpu.memory_space<hbm>> -> memref<16xi32, #tpu.memory_space<hbm>>
    tpu.wait_dma2 semaphore(%dma_wait3A_86 : memref<!tpu.dma_semaphore, #tpu.memory_space<semaphore_mem>>) src(%dma_wait3A_87 : memref<16xi32, #tpu.memory_space<hbm>>) dst(%arg6 : memref<16xi32, #tpu.memory_space<vmem>>)
    %dma_wait3A_88 = arith.constant 1 : i32
    %dma_wait3A_89 = arith.constant 0 : i32
    %dma_wait3A_90 = tpu.memref_slice %arg2[%add3A_40, %dma_wait3A_89] : memref<2048x768xf32, #tpu.memory_space<hbm>> -> memref<16x768xf32, #tpu.memory_space<hbm>>
    %dma_wait3A_91 = tpu.memref_slice %arg14[%dma_wait3A_88] : memref<4x!tpu.dma_semaphore, #tpu.memory_space<semaphore_mem>> -> memref<1x!tpu.dma_semaphore, #tpu.memory_space<semaphore_mem>>
    %dma_wait3A_92 = tpu.memref_squeeze %dma_wait3A_91 : memref<1x!tpu.dma_semaphore, #tpu.memory_space<semaphore_mem>> -> memref<!tpu.dma_semaphore, #tpu.memory_space<semaphore_mem>>
    %dma_wait3A_93 = arith.constant 0 : i32
    %dma_wait3A_94 = tpu.memref_slice %arg2[%add3A_40, %dma_wait3A_93] : memref<2048x768xf32, #tpu.memory_space<hbm>> -> memref<16x768xf32, #tpu.memory_space<hbm>>
    tpu.wait_dma2 semaphore(%dma_wait3A_92 : memref<!tpu.dma_semaphore, #tpu.memory_space<semaphore_mem>>) src(%dma_wait3A_94 : memref<16x768xf32, #tpu.memory_space<hbm>>) dst(%arg10 : memref<16x768xf32, #tpu.memory_space<vmem>>)
    %dma_start3A_95 = arith.constant 1 : i32
    %dma_start3A_96 = arith.constant 0 : i32
    %dma_start3A_97 = arith.constant 0 : i32
    %dma_start3A_98 = tpu.memref_slice %arg4[%dma_start3A_96, %dma_start3A_97] : memref<2048x768xf32, #tpu.memory_space<hbm>> -> memref<2048x768xf32, #tpu.memory_space<hbm>>
    %dma_start3A_99 = tpu.memref_slice %arg15[%dma_start3A_95] : memref<4x!tpu.dma_semaphore, #tpu.memory_space<semaphore_mem>> -> memref<1x!tpu.dma_semaphore, #tpu.memory_space<semaphore_mem>>
    %dma_start3A_100 = tpu.memref_squeeze %dma_start3A_99 : memref<1x!tpu.dma_semaphore, #tpu.memory_space<semaphore_mem>> -> memref<!tpu.dma_semaphore, #tpu.memory_space<semaphore_mem>>
    tpu.enqueue_indirect_dma source(%arg10 : memref<16x768xf32, #tpu.memory_space<vmem>>) target(%dma_start3A_98 : memref<2048x768xf32, #tpu.memory_space<hbm>>) offsets(%arg6 : memref<16xi32, #tpu.memory_space<vmem>>) semaphore(%dma_start3A_100 : memref<!tpu.dma_semaphore, #tpu.memory_space<semaphore_mem>>)
    %dma_wait3A_101 = arith.constant 2 : i32
    %dma_wait3A_102 = tpu.memref_slice %arg3[%add3A_17] : memref<2048xi32, #tpu.memory_space<hbm>> -> memref<16xi32, #tpu.memory_space<hbm>>
    %dma_wait3A_103 = tpu.memref_slice %arg13[%dma_wait3A_101] : memref<4x!tpu.dma_semaphore, #tpu.memory_space<semaphore_mem>> -> memref<1x!tpu.dma_semaphore, #tpu.memory_space<semaphore_mem>>
    %dma_wait3A_104 = tpu.memref_squeeze %dma_wait3A_103 : memref<1x!tpu.dma_semaphore, #tpu.memory_space<semaphore_mem>> -> memref<!tpu.dma_semaphore, #tpu.memory_space<semaphore_mem>>
    %dma_wait3A_105 = tpu.memref_slice %arg3[%add3A_17] : memref<2048xi32, #tpu.memory_space<hbm>> -> memref<16xi32, #tpu.memory_space<hbm>>
    tpu.wait_dma2 semaphore(%dma_wait3A_104 : memref<!tpu.dma_semaphore, #tpu.memory_space<semaphore_mem>>) src(%dma_wait3A_105 : memref<16xi32, #tpu.memory_space<hbm>>) dst(%arg7 : memref<16xi32, #tpu.memory_space<vmem>>)
    %dma_wait3A_106 = arith.constant 2 : i32
    %dma_wait3A_107 = arith.constant 0 : i32
    %dma_wait3A_108 = tpu.memref_slice %arg2[%add3A_49, %dma_wait3A_107] : memref<2048x768xf32, #tpu.memory_space<hbm>> -> memref<16x768xf32, #tpu.memory_space<hbm>>
    %dma_wait3A_109 = tpu.memref_slice %arg14[%dma_wait3A_106] : memref<4x!tpu.dma_semaphore, #tpu.memory_space<semaphore_mem>> -> memref<1x!tpu.dma_semaphore, #tpu.memory_space<semaphore_mem>>
    %dma_wait3A_110 = tpu.memref_squeeze %dma_wait3A_109 : memref<1x!tpu.dma_semaphore, #tpu.memory_space<semaphore_mem>> -> memref<!tpu.dma_semaphore, #tpu.memory_space<semaphore_mem>>
    %dma_wait3A_111 = arith.constant 0 : i32
    %dma_wait3A_112 = tpu.memref_slice %arg2[%add3A_49, %dma_wait3A_111] : memref<2048x768xf32, #tpu.memory_space<hbm>> -> memref<16x768xf32, #tpu.memory_space<hbm>>
    tpu.wait_dma2 semaphore(%dma_wait3A_110 : memref<!tpu.dma_semaphore, #tpu.memory_space<semaphore_mem>>) src(%dma_wait3A_112 : memref<16x768xf32, #tpu.memory_space<hbm>>) dst(%arg11 : memref<16x768xf32, #tpu.memory_space<vmem>>)
    %dma_start3A_113 = arith.constant 2 : i32
    %dma_start3A_114 = arith.constant 0 : i32
    %dma_start3A_115 = arith.constant 0 : i32
    %dma_start3A_116 = tpu.memref_slice %arg4[%dma_start3A_114, %dma_start3A_115] : memref<2048x768xf32, #tpu.memory_space<hbm>> -> memref<2048x768xf32, #tpu.memory_space<hbm>>
    %dma_start3A_117 = tpu.memref_slice %arg15[%dma_start3A_113] : memref<4x!tpu.dma_semaphore, #tpu.memory_space<semaphore_mem>> -> memref<1x!tpu.dma_semaphore, #tpu.memory_space<semaphore_mem>>
    %dma_start3A_118 = tpu.memref_squeeze %dma_start3A_117 : memref<1x!tpu.dma_semaphore, #tpu.memory_space<semaphore_mem>> -> memref<!tpu.dma_semaphore, #tpu.memory_space<semaphore_mem>>
    tpu.enqueue_indirect_dma source(%arg11 : memref<16x768xf32, #tpu.memory_space<vmem>>) target(%dma_start3A_116 : memref<2048x768xf32, #tpu.memory_space<hbm>>) offsets(%arg7 : memref<16xi32, #tpu.memory_space<vmem>>) semaphore(%dma_start3A_118 : memref<!tpu.dma_semaphore, #tpu.memory_space<semaphore_mem>>)
    %dma_wait3A_119 = arith.constant 3 : i32
    %dma_wait3A_120 = tpu.memref_slice %arg3[%add3A_24] : memref<2048xi32, #tpu.memory_space<hbm>> -> memref<16xi32, #tpu.memory_space<hbm>>
    %dma_wait3A_121 = tpu.memref_slice %arg13[%dma_wait3A_119] : memref<4x!tpu.dma_semaphore, #tpu.memory_space<semaphore_mem>> -> memref<1x!tpu.dma_semaphore, #tpu.memory_space<semaphore_mem>>
    %dma_wait3A_122 = tpu.memref_squeeze %dma_wait3A_121 : memref<1x!tpu.dma_semaphore, #tpu.memory_space<semaphore_mem>> -> memref<!tpu.dma_semaphore, #tpu.memory_space<semaphore_mem>>
    %dma_wait3A_123 = tpu.memref_slice %arg3[%add3A_24] : memref<2048xi32, #tpu.memory_space<hbm>> -> memref<16xi32, #tpu.memory_space<hbm>>
    tpu.wait_dma2 semaphore(%dma_wait3A_122 : memref<!tpu.dma_semaphore, #tpu.memory_space<semaphore_mem>>) src(%dma_wait3A_123 : memref<16xi32, #tpu.memory_space<hbm>>) dst(%arg8 : memref<16xi32, #tpu.memory_space<vmem>>)
    %dma_wait3A_124 = arith.constant 3 : i32
    %dma_wait3A_125 = arith.constant 0 : i32
    %dma_wait3A_126 = tpu.memref_slice %arg2[%add3A_58, %dma_wait3A_125] : memref<2048x768xf32, #tpu.memory_space<hbm>> -> memref<16x768xf32, #tpu.memory_space<hbm>>
    %dma_wait3A_127 = tpu.memref_slice %arg14[%dma_wait3A_124] : memref<4x!tpu.dma_semaphore, #tpu.memory_space<semaphore_mem>> -> memref<1x!tpu.dma_semaphore, #tpu.memory_space<semaphore_mem>>
    %dma_wait3A_128 = tpu.memref_squeeze %dma_wait3A_127 : memref<1x!tpu.dma_semaphore, #tpu.memory_space<semaphore_mem>> -> memref<!tpu.dma_semaphore, #tpu.memory_space<semaphore_mem>>
    %dma_wait3A_129 = arith.constant 0 : i32
    %dma_wait3A_130 = tpu.memref_slice %arg2[%add3A_58, %dma_wait3A_129] : memref<2048x768xf32, #tpu.memory_space<hbm>> -> memref<16x768xf32, #tpu.memory_space<hbm>>
    tpu.wait_dma2 semaphore(%dma_wait3A_128 : memref<!tpu.dma_semaphore, #tpu.memory_space<semaphore_mem>>) src(%dma_wait3A_130 : memref<16x768xf32, #tpu.memory_space<hbm>>) dst(%arg12 : memref<16x768xf32, #tpu.memory_space<vmem>>)
    %dma_start3A_131 = arith.constant 3 : i32
    %dma_start3A_132 = arith.constant 0 : i32
    %dma_start3A_133 = arith.constant 0 : i32
    %dma_start3A_134 = tpu.memref_slice %arg4[%dma_start3A_132, %dma_start3A_133] : memref<2048x768xf32, #tpu.memory_space<hbm>> -> memref<2048x768xf32, #tpu.memory_space<hbm>>
    %dma_start3A_135 = tpu.memref_slice %arg15[%dma_start3A_131] : memref<4x!tpu.dma_semaphore, #tpu.memory_space<semaphore_mem>> -> memref<1x!tpu.dma_semaphore, #tpu.memory_space<semaphore_mem>>
    %dma_start3A_136 = tpu.memref_squeeze %dma_start3A_135 : memref<1x!tpu.dma_semaphore, #tpu.memory_space<semaphore_mem>> -> memref<!tpu.dma_semaphore, #tpu.memory_space<semaphore_mem>>
    tpu.enqueue_indirect_dma source(%arg12 : memref<16x768xf32, #tpu.memory_space<vmem>>) target(%dma_start3A_134 : memref<2048x768xf32, #tpu.memory_space<hbm>>) offsets(%arg8 : memref<16xi32, #tpu.memory_space<vmem>>) semaphore(%dma_start3A_136 : memref<!tpu.dma_semaphore, #tpu.memory_space<semaphore_mem>>)
    %dma_wait3A_137 = arith.constant 0 : i32
    %dma_wait3A_138 = arith.constant 0 : i32
    %dma_wait3A_139 = arith.constant 0 : i32
    %dma_wait3A_140 = tpu.memref_slice %arg4[%dma_wait3A_138, %dma_wait3A_139] : memref<2048x768xf32, #tpu.memory_space<hbm>> -> memref<2048x768xf32, #tpu.memory_space<hbm>>
    %dma_wait3A_141 = tpu.memref_slice %arg15[%dma_wait3A_137] : memref<4x!tpu.dma_semaphore, #tpu.memory_space<semaphore_mem>> -> memref<1x!tpu.dma_semaphore, #tpu.memory_space<semaphore_mem>>
    %dma_wait3A_142 = tpu.memref_squeeze %dma_wait3A_141 : memref<1x!tpu.dma_semaphore, #tpu.memory_space<semaphore_mem>> -> memref<!tpu.dma_semaphore, #tpu.memory_space<semaphore_mem>>
    tpu.wait_indirect_dma semaphore(%dma_wait3A_142 : memref<!tpu.dma_semaphore, #tpu.memory_space<semaphore_mem>>) src(%arg9 : memref<16x768xf32, #tpu.memory_space<vmem>>) dst(%dma_wait3A_140 : memref<2048x768xf32, #tpu.memory_space<hbm>>)
    %dma_wait3A_143 = arith.constant 1 : i32
    %dma_wait3A_144 = arith.constant 0 : i32
    %dma_wait3A_145 = arith.constant 0 : i32
    %dma_wait3A_146 = tpu.memref_slice %arg4[%dma_wait3A_144, %dma_wait3A_145] : memref<2048x768xf32, #tpu.memory_space<hbm>> -> memref<2048x768xf32, #tpu.memory_space<hbm>>
    %dma_wait3A_147 = tpu.memref_slice %arg15[%dma_wait3A_143] : memref<4x!tpu.dma_semaphore, #tpu.memory_space<semaphore_mem>> -> memref<1x!tpu.dma_semaphore, #tpu.memory_space<semaphore_mem>>
    %dma_wait3A_148 = tpu.memref_squeeze %dma_wait3A_147 : memref<1x!tpu.dma_semaphore, #tpu.memory_space<semaphore_mem>> -> memref<!tpu.dma_semaphore, #tpu.memory_space<semaphore_mem>>
    tpu.wait_indirect_dma semaphore(%dma_wait3A_148 : memref<!tpu.dma_semaphore, #tpu.memory_space<semaphore_mem>>) src(%arg10 : memref<16x768xf32, #tpu.memory_space<vmem>>) dst(%dma_wait3A_146 : memref<2048x768xf32, #tpu.memory_space<hbm>>)
    %dma_wait3A_149 = arith.constant 2 : i32
    %dma_wait3A_150 = arith.constant 0 : i32
    %dma_wait3A_151 = arith.constant 0 : i32
    %dma_wait3A_152 = tpu.memref_slice %arg4[%dma_wait3A_150, %dma_wait3A_151] : memref<2048x768xf32, #tpu.memory_space<hbm>> -> memref<2048x768xf32, #tpu.memory_space<hbm>>
    %dma_wait3A_153 = tpu.memref_slice %arg15[%dma_wait3A_149] : memref<4x!tpu.dma_semaphore, #tpu.memory_space<semaphore_mem>> -> memref<1x!tpu.dma_semaphore, #tpu.memory_space<semaphore_mem>>
    %dma_wait3A_154 = tpu.memref_squeeze %dma_wait3A_153 : memref<1x!tpu.dma_semaphore, #tpu.memory_space<semaphore_mem>> -> memref<!tpu.dma_semaphore, #tpu.memory_space<semaphore_mem>>
    tpu.wait_indirect_dma semaphore(%dma_wait3A_154 : memref<!tpu.dma_semaphore, #tpu.memory_space<semaphore_mem>>) src(%arg11 : memref<16x768xf32, #tpu.memory_space<vmem>>) dst(%dma_wait3A_152 : memref<2048x768xf32, #tpu.memory_space<hbm>>)
    %dma_wait3A_155 = arith.constant 3 : i32
    %dma_wait3A_156 = arith.constant 0 : i32
    %dma_wait3A_157 = arith.constant 0 : i32
    %dma_wait3A_158 = tpu.memref_slice %arg4[%dma_wait3A_156, %dma_wait3A_157] : memref<2048x768xf32, #tpu.memory_space<hbm>> -> memref<2048x768xf32, #tpu.memory_space<hbm>>
    %dma_wait3A_159 = tpu.memref_slice %arg15[%dma_wait3A_155] : memref<4x!tpu.dma_semaphore, #tpu.memory_space<semaphore_mem>> -> memref<1x!tpu.dma_semaphore, #tpu.memory_space<semaphore_mem>>
    %dma_wait3A_160 = tpu.memref_squeeze %dma_wait3A_159 : memref<1x!tpu.dma_semaphore, #tpu.memory_space<semaphore_mem>> -> memref<!tpu.dma_semaphore, #tpu.memory_space<semaphore_mem>>
    tpu.wait_indirect_dma semaphore(%dma_wait3A_160 : memref<!tpu.dma_semaphore, #tpu.memory_space<semaphore_mem>>) src(%arg12 : memref<16x768xf32, #tpu.memory_space<vmem>>) dst(%dma_wait3A_158 : memref<2048x768xf32, #tpu.memory_space<hbm>>)
    return
  }
}

module attributes {stable_mosaic.version = 14 : i64} {
  func.func @_gemm_body(%arg0: memref<64xi32, #tpu.memory_space<smem>>, %arg1: memref<64x768x768xf32, #tpu.memory_space<hbm>>, %arg2: memref<2048x768xf32, #tpu.memory_space<vmem>>, %arg3: memref<2048x128xf32, #tpu.memory_space<vmem>>, %arg4: memref<2048x768xf32, #tpu.memory_space<hbm>>, %arg5: memref<2048x768xf32, #tpu.memory_space<vmem>>, %arg6: memref<4x768x768xf32, #tpu.memory_space<vmem>>, %arg7: memref<4x2x!tpu.dma_semaphore, #tpu.memory_space<semaphore_mem>>, %arg8: memref<!tpu.dma_semaphore, #tpu.memory_space<semaphore_mem>>) attributes {dimension_semantics = [], scalar_prefetch = 0 : i64, scratch_operands = 4 : i64, tpu.core_type = #tpu.core_type<tc>} {
    %rem3A = arith.constant 0 : i32
    %rem3A_0 = arith.constant 4 : i32
    %rem3A_1 = arith.remsi %rem3A, %rem3A_0 : i32
    %dma_start3A = arith.constant 0 : i32
    %dma_start3A_2 = arith.constant 0 : i32
    %dma_start3A_3 = tpu.memref_slice %arg7[%rem3A_1, %dma_start3A_2] : memref<4x2x!tpu.dma_semaphore, #tpu.memory_space<semaphore_mem>> -> memref<1x1x!tpu.dma_semaphore, #tpu.memory_space<semaphore_mem>>
    %dma_start3A_4 = tpu.memref_squeeze %dma_start3A_3 : memref<1x1x!tpu.dma_semaphore, #tpu.memory_space<semaphore_mem>> -> memref<!tpu.dma_semaphore, #tpu.memory_space<semaphore_mem>>
    %dma_start3A_5 = arith.constant 0 : i32
    %dma_start3A_6 = arith.constant 0 : i32
    %dma_start3A_7 = tpu.memref_slice %arg6[%rem3A_1, %dma_start3A_5, %dma_start3A_6] : memref<4x768x768xf32, #tpu.memory_space<vmem>> -> memref<1x384x768xf32, #tpu.memory_space<vmem>>
    %dma_start3A_8 = tpu.memref_squeeze %dma_start3A_7 : memref<1x384x768xf32, #tpu.memory_space<vmem>> -> memref<384x768xf32, #tpu.memory_space<vmem>>
    %dma_start3A_9 = arith.constant 0 : i32
    %dma_start3A_10 = arith.constant 0 : i32
    %dma_start3A_11 = tpu.memref_slice %arg1[%dma_start3A, %dma_start3A_9, %dma_start3A_10] : memref<64x768x768xf32, #tpu.memory_space<hbm>> -> memref<1x384x768xf32, #tpu.memory_space<hbm>>
    %dma_start3A_12 = tpu.memref_squeeze %dma_start3A_11 : memref<1x384x768xf32, #tpu.memory_space<hbm>> -> memref<384x768xf32, #tpu.memory_space<hbm>>
    tpu.enqueue_dma source(%dma_start3A_12 : memref<384x768xf32, #tpu.memory_space<hbm>>) target(%dma_start3A_8 : memref<384x768xf32, #tpu.memory_space<vmem>>) target_semaphore(%dma_start3A_4 : memref<!tpu.dma_semaphore, #tpu.memory_space<semaphore_mem>>)
    %dma_start3A_13 = arith.constant 0 : i32
    %dma_start3A_14 = arith.constant 1 : i32
    %dma_start3A_15 = tpu.memref_slice %arg7[%rem3A_1, %dma_start3A_14] : memref<4x2x!tpu.dma_semaphore, #tpu.memory_space<semaphore_mem>> -> memref<1x1x!tpu.dma_semaphore, #tpu.memory_space<semaphore_mem>>
    %dma_start3A_16 = tpu.memref_squeeze %dma_start3A_15 : memref<1x1x!tpu.dma_semaphore, #tpu.memory_space<semaphore_mem>> -> memref<!tpu.dma_semaphore, #tpu.memory_space<semaphore_mem>>
    %dma_start3A_17 = arith.constant 384 : i32
    %dma_start3A_18 = arith.constant 0 : i32
    %dma_start3A_19 = tpu.memref_slice %arg6[%rem3A_1, %dma_start3A_17, %dma_start3A_18] : memref<4x768x768xf32, #tpu.memory_space<vmem>> -> memref<1x384x768xf32, #tpu.memory_space<vmem>>
    %dma_start3A_20 = tpu.memref_squeeze %dma_start3A_19 : memref<1x384x768xf32, #tpu.memory_space<vmem>> -> memref<384x768xf32, #tpu.memory_space<vmem>>
    %dma_start3A_21 = arith.constant 384 : i32
    %dma_start3A_22 = arith.constant 0 : i32
    %dma_start3A_23 = tpu.memref_slice %arg1[%dma_start3A_13, %dma_start3A_21, %dma_start3A_22] : memref<64x768x768xf32, #tpu.memory_space<hbm>> -> memref<1x384x768xf32, #tpu.memory_space<hbm>>
    %dma_start3A_24 = tpu.memref_squeeze %dma_start3A_23 : memref<1x384x768xf32, #tpu.memory_space<hbm>> -> memref<384x768xf32, #tpu.memory_space<hbm>>
    tpu.enqueue_dma source(%dma_start3A_24 : memref<384x768xf32, #tpu.memory_space<hbm>>) target(%dma_start3A_20 : memref<384x768xf32, #tpu.memory_space<vmem>>) target_semaphore(%dma_start3A_16 : memref<!tpu.dma_semaphore, #tpu.memory_space<semaphore_mem>>)
    %rem3A_25 = arith.constant 1 : i32
    %rem3A_26 = arith.constant 4 : i32
    %rem3A_27 = arith.remsi %rem3A_25, %rem3A_26 : i32
    %dma_start3A_28 = arith.constant 1 : i32
    %dma_start3A_29 = arith.constant 0 : i32
    %dma_start3A_30 = tpu.memref_slice %arg7[%rem3A_27, %dma_start3A_29] : memref<4x2x!tpu.dma_semaphore, #tpu.memory_space<semaphore_mem>> -> memref<1x1x!tpu.dma_semaphore, #tpu.memory_space<semaphore_mem>>
    %dma_start3A_31 = tpu.memref_squeeze %dma_start3A_30 : memref<1x1x!tpu.dma_semaphore, #tpu.memory_space<semaphore_mem>> -> memref<!tpu.dma_semaphore, #tpu.memory_space<semaphore_mem>>
    %dma_start3A_32 = arith.constant 0 : i32
    %dma_start3A_33 = arith.constant 0 : i32
    %dma_start3A_34 = tpu.memref_slice %arg6[%rem3A_27, %dma_start3A_32, %dma_start3A_33] : memref<4x768x768xf32, #tpu.memory_space<vmem>> -> memref<1x384x768xf32, #tpu.memory_space<vmem>>
    %dma_start3A_35 = tpu.memref_squeeze %dma_start3A_34 : memref<1x384x768xf32, #tpu.memory_space<vmem>> -> memref<384x768xf32, #tpu.memory_space<vmem>>
    %dma_start3A_36 = arith.constant 0 : i32
    %dma_start3A_37 = arith.constant 0 : i32
    %dma_start3A_38 = tpu.memref_slice %arg1[%dma_start3A_28, %dma_start3A_36, %dma_start3A_37] : memref<64x768x768xf32, #tpu.memory_space<hbm>> -> memref<1x384x768xf32, #tpu.memory_space<hbm>>
    %dma_start3A_39 = tpu.memref_squeeze %dma_start3A_38 : memref<1x384x768xf32, #tpu.memory_space<hbm>> -> memref<384x768xf32, #tpu.memory_space<hbm>>
    tpu.enqueue_dma source(%dma_start3A_39 : memref<384x768xf32, #tpu.memory_space<hbm>>) target(%dma_start3A_35 : memref<384x768xf32, #tpu.memory_space<vmem>>) target_semaphore(%dma_start3A_31 : memref<!tpu.dma_semaphore, #tpu.memory_space<semaphore_mem>>)
    %dma_start3A_40 = arith.constant 1 : i32
    %dma_start3A_41 = arith.constant 1 : i32
    %dma_start3A_42 = tpu.memref_slice %arg7[%rem3A_27, %dma_start3A_41] : memref<4x2x!tpu.dma_semaphore, #tpu.memory_space<semaphore_mem>> -> memref<1x1x!tpu.dma_semaphore, #tpu.memory_space<semaphore_mem>>
    %dma_start3A_43 = tpu.memref_squeeze %dma_start3A_42 : memref<1x1x!tpu.dma_semaphore, #tpu.memory_space<semaphore_mem>> -> memref<!tpu.dma_semaphore, #tpu.memory_space<semaphore_mem>>
    %dma_start3A_44 = arith.constant 384 : i32
    %dma_start3A_45 = arith.constant 0 : i32
    %dma_start3A_46 = tpu.memref_slice %arg6[%rem3A_27, %dma_start3A_44, %dma_start3A_45] : memref<4x768x768xf32, #tpu.memory_space<vmem>> -> memref<1x384x768xf32, #tpu.memory_space<vmem>>
    %dma_start3A_47 = tpu.memref_squeeze %dma_start3A_46 : memref<1x384x768xf32, #tpu.memory_space<vmem>> -> memref<384x768xf32, #tpu.memory_space<vmem>>
    %dma_start3A_48 = arith.constant 384 : i32
    %dma_start3A_49 = arith.constant 0 : i32
    %dma_start3A_50 = tpu.memref_slice %arg1[%dma_start3A_40, %dma_start3A_48, %dma_start3A_49] : memref<64x768x768xf32, #tpu.memory_space<hbm>> -> memref<1x384x768xf32, #tpu.memory_space<hbm>>
    %dma_start3A_51 = tpu.memref_squeeze %dma_start3A_50 : memref<1x384x768xf32, #tpu.memory_space<hbm>> -> memref<384x768xf32, #tpu.memory_space<hbm>>
    tpu.enqueue_dma source(%dma_start3A_51 : memref<384x768xf32, #tpu.memory_space<hbm>>) target(%dma_start3A_47 : memref<384x768xf32, #tpu.memory_space<vmem>>) target_semaphore(%dma_start3A_43 : memref<!tpu.dma_semaphore, #tpu.memory_space<semaphore_mem>>)
    %rem3A_52 = arith.constant 2 : i32
    %rem3A_53 = arith.constant 4 : i32
    %rem3A_54 = arith.remsi %rem3A_52, %rem3A_53 : i32
    %dma_start3A_55 = arith.constant 2 : i32
    %dma_start3A_56 = arith.constant 0 : i32
    %dma_start3A_57 = tpu.memref_slice %arg7[%rem3A_54, %dma_start3A_56] : memref<4x2x!tpu.dma_semaphore, #tpu.memory_space<semaphore_mem>> -> memref<1x1x!tpu.dma_semaphore, #tpu.memory_space<semaphore_mem>>
    %dma_start3A_58 = tpu.memref_squeeze %dma_start3A_57 : memref<1x1x!tpu.dma_semaphore, #tpu.memory_space<semaphore_mem>> -> memref<!tpu.dma_semaphore, #tpu.memory_space<semaphore_mem>>
    %dma_start3A_59 = arith.constant 0 : i32
    %dma_start3A_60 = arith.constant 0 : i32
    %dma_start3A_61 = tpu.memref_slice %arg6[%rem3A_54, %dma_start3A_59, %dma_start3A_60] : memref<4x768x768xf32, #tpu.memory_space<vmem>> -> memref<1x384x768xf32, #tpu.memory_space<vmem>>
    %dma_start3A_62 = tpu.memref_squeeze %dma_start3A_61 : memref<1x384x768xf32, #tpu.memory_space<vmem>> -> memref<384x768xf32, #tpu.memory_space<vmem>>
    %dma_start3A_63 = arith.constant 0 : i32
    %dma_start3A_64 = arith.constant 0 : i32
    %dma_start3A_65 = tpu.memref_slice %arg1[%dma_start3A_55, %dma_start3A_63, %dma_start3A_64] : memref<64x768x768xf32, #tpu.memory_space<hbm>> -> memref<1x384x768xf32, #tpu.memory_space<hbm>>
    %dma_start3A_66 = tpu.memref_squeeze %dma_start3A_65 : memref<1x384x768xf32, #tpu.memory_space<hbm>> -> memref<384x768xf32, #tpu.memory_space<hbm>>
    tpu.enqueue_dma source(%dma_start3A_66 : memref<384x768xf32, #tpu.memory_space<hbm>>) target(%dma_start3A_62 : memref<384x768xf32, #tpu.memory_space<vmem>>) target_semaphore(%dma_start3A_58 : memref<!tpu.dma_semaphore, #tpu.memory_space<semaphore_mem>>)
    %dma_start3A_67 = arith.constant 2 : i32
    %dma_start3A_68 = arith.constant 1 : i32
    %dma_start3A_69 = tpu.memref_slice %arg7[%rem3A_54, %dma_start3A_68] : memref<4x2x!tpu.dma_semaphore, #tpu.memory_space<semaphore_mem>> -> memref<1x1x!tpu.dma_semaphore, #tpu.memory_space<semaphore_mem>>
    %dma_start3A_70 = tpu.memref_squeeze %dma_start3A_69 : memref<1x1x!tpu.dma_semaphore, #tpu.memory_space<semaphore_mem>> -> memref<!tpu.dma_semaphore, #tpu.memory_space<semaphore_mem>>
    %dma_start3A_71 = arith.constant 384 : i32
    %dma_start3A_72 = arith.constant 0 : i32
    %dma_start3A_73 = tpu.memref_slice %arg6[%rem3A_54, %dma_start3A_71, %dma_start3A_72] : memref<4x768x768xf32, #tpu.memory_space<vmem>> -> memref<1x384x768xf32, #tpu.memory_space<vmem>>
    %dma_start3A_74 = tpu.memref_squeeze %dma_start3A_73 : memref<1x384x768xf32, #tpu.memory_space<vmem>> -> memref<384x768xf32, #tpu.memory_space<vmem>>
    %dma_start3A_75 = arith.constant 384 : i32
    %dma_start3A_76 = arith.constant 0 : i32
    %dma_start3A_77 = tpu.memref_slice %arg1[%dma_start3A_67, %dma_start3A_75, %dma_start3A_76] : memref<64x768x768xf32, #tpu.memory_space<hbm>> -> memref<1x384x768xf32, #tpu.memory_space<hbm>>
    %dma_start3A_78 = tpu.memref_squeeze %dma_start3A_77 : memref<1x384x768xf32, #tpu.memory_space<hbm>> -> memref<384x768xf32, #tpu.memory_space<hbm>>
    tpu.enqueue_dma source(%dma_start3A_78 : memref<384x768xf32, #tpu.memory_space<hbm>>) target(%dma_start3A_74 : memref<384x768xf32, #tpu.memory_space<vmem>>) target_semaphore(%dma_start3A_70 : memref<!tpu.dma_semaphore, #tpu.memory_space<semaphore_mem>>)
    %rem3A_79 = arith.constant 3 : i32
    %rem3A_80 = arith.constant 4 : i32
    %rem3A_81 = arith.remsi %rem3A_79, %rem3A_80 : i32
    %dma_start3A_82 = arith.constant 3 : i32
    %dma_start3A_83 = arith.constant 0 : i32
    %dma_start3A_84 = tpu.memref_slice %arg7[%rem3A_81, %dma_start3A_83] : memref<4x2x!tpu.dma_semaphore, #tpu.memory_space<semaphore_mem>> -> memref<1x1x!tpu.dma_semaphore, #tpu.memory_space<semaphore_mem>>
    %dma_start3A_85 = tpu.memref_squeeze %dma_start3A_84 : memref<1x1x!tpu.dma_semaphore, #tpu.memory_space<semaphore_mem>> -> memref<!tpu.dma_semaphore, #tpu.memory_space<semaphore_mem>>
    %dma_start3A_86 = arith.constant 0 : i32
    %dma_start3A_87 = arith.constant 0 : i32
    %dma_start3A_88 = tpu.memref_slice %arg6[%rem3A_81, %dma_start3A_86, %dma_start3A_87] : memref<4x768x768xf32, #tpu.memory_space<vmem>> -> memref<1x384x768xf32, #tpu.memory_space<vmem>>
    %dma_start3A_89 = tpu.memref_squeeze %dma_start3A_88 : memref<1x384x768xf32, #tpu.memory_space<vmem>> -> memref<384x768xf32, #tpu.memory_space<vmem>>
    %dma_start3A_90 = arith.constant 0 : i32
    %dma_start3A_91 = arith.constant 0 : i32
    %dma_start3A_92 = tpu.memref_slice %arg1[%dma_start3A_82, %dma_start3A_90, %dma_start3A_91] : memref<64x768x768xf32, #tpu.memory_space<hbm>> -> memref<1x384x768xf32, #tpu.memory_space<hbm>>
    %dma_start3A_93 = tpu.memref_squeeze %dma_start3A_92 : memref<1x384x768xf32, #tpu.memory_space<hbm>> -> memref<384x768xf32, #tpu.memory_space<hbm>>
    tpu.enqueue_dma source(%dma_start3A_93 : memref<384x768xf32, #tpu.memory_space<hbm>>) target(%dma_start3A_89 : memref<384x768xf32, #tpu.memory_space<vmem>>) target_semaphore(%dma_start3A_85 : memref<!tpu.dma_semaphore, #tpu.memory_space<semaphore_mem>>)
    %dma_start3A_94 = arith.constant 3 : i32
    %dma_start3A_95 = arith.constant 1 : i32
    %dma_start3A_96 = tpu.memref_slice %arg7[%rem3A_81, %dma_start3A_95] : memref<4x2x!tpu.dma_semaphore, #tpu.memory_space<semaphore_mem>> -> memref<1x1x!tpu.dma_semaphore, #tpu.memory_space<semaphore_mem>>
    %dma_start3A_97 = tpu.memref_squeeze %dma_start3A_96 : memref<1x1x!tpu.dma_semaphore, #tpu.memory_space<semaphore_mem>> -> memref<!tpu.dma_semaphore, #tpu.memory_space<semaphore_mem>>
    %dma_start3A_98 = arith.constant 384 : i32
    %dma_start3A_99 = arith.constant 0 : i32
    %dma_start3A_100 = tpu.memref_slice %arg6[%rem3A_81, %dma_start3A_98, %dma_start3A_99] : memref<4x768x768xf32, #tpu.memory_space<vmem>> -> memref<1x384x768xf32, #tpu.memory_space<vmem>>
    %dma_start3A_101 = tpu.memref_squeeze %dma_start3A_100 : memref<1x384x768xf32, #tpu.memory_space<vmem>> -> memref<384x768xf32, #tpu.memory_space<vmem>>
    %dma_start3A_102 = arith.constant 384 : i32
    %dma_start3A_103 = arith.constant 0 : i32
    %dma_start3A_104 = tpu.memref_slice %arg1[%dma_start3A_94, %dma_start3A_102, %dma_start3A_103] : memref<64x768x768xf32, #tpu.memory_space<hbm>> -> memref<1x384x768xf32, #tpu.memory_space<hbm>>
    %dma_start3A_105 = tpu.memref_squeeze %dma_start3A_104 : memref<1x384x768xf32, #tpu.memory_space<hbm>> -> memref<384x768xf32, #tpu.memory_space<hbm>>
    tpu.enqueue_dma source(%dma_start3A_105 : memref<384x768xf32, #tpu.memory_space<hbm>>) target(%dma_start3A_101 : memref<384x768xf32, #tpu.memory_space<vmem>>) target_semaphore(%dma_start3A_97 : memref<!tpu.dma_semaphore, #tpu.memory_space<semaphore_mem>>)
    %scan3A = arith.constant 0 : i32
    %scan3A_106 = arith.constant 0 : i32
    %scan3A_107 = arith.constant 64 : i32
    %scan3A_108 = arith.addi %scan3A_106, %scan3A_107 : i32
    %scan3A_109 = arith.constant 1 : i32
    %scan3A_110 = scf.for %scan3A_284 = %scan3A_106 to %scan3A_108 step %scan3A_109 iter_args(%scan3A_285 = %scan3A) -> (i32)  : i32 {
      %rem3A_286 = arith.constant 4 : i32
      %rem3A_287 = arith.remsi %scan3A_284, %rem3A_286 : i32
      %dma_wait3A_288 = arith.constant 0 : i32
      %dma_wait3A_289 = tpu.memref_slice %arg7[%rem3A_287, %dma_wait3A_288] : memref<4x2x!tpu.dma_semaphore, #tpu.memory_space<semaphore_mem>> -> memref<1x1x!tpu.dma_semaphore, #tpu.memory_space<semaphore_mem>>
      %dma_wait3A_290 = tpu.memref_squeeze %dma_wait3A_289 : memref<1x1x!tpu.dma_semaphore, #tpu.memory_space<semaphore_mem>> -> memref<!tpu.dma_semaphore, #tpu.memory_space<semaphore_mem>>
      %dma_wait3A_291 = arith.constant 0 : i32
      %dma_wait3A_292 = arith.constant 0 : i32
      %dma_wait3A_293 = tpu.memref_slice %arg6[%rem3A_287, %dma_wait3A_291, %dma_wait3A_292] : memref<4x768x768xf32, #tpu.memory_space<vmem>> -> memref<1x384x768xf32, #tpu.memory_space<vmem>>
      %dma_wait3A_294 = tpu.memref_squeeze %dma_wait3A_293 : memref<1x384x768xf32, #tpu.memory_space<vmem>> -> memref<384x768xf32, #tpu.memory_space<vmem>>
      %dma_wait3A_295 = arith.constant 0 : i32
      %dma_wait3A_296 = arith.constant 0 : i32
      %dma_wait3A_297 = tpu.memref_slice %arg1[%scan3A_284, %dma_wait3A_295, %dma_wait3A_296] : memref<64x768x768xf32, #tpu.memory_space<hbm>> -> memref<1x384x768xf32, #tpu.memory_space<hbm>>
      %dma_wait3A_298 = tpu.memref_squeeze %dma_wait3A_297 : memref<1x384x768xf32, #tpu.memory_space<hbm>> -> memref<384x768xf32, #tpu.memory_space<hbm>>
      tpu.wait_dma2 semaphore(%dma_wait3A_290 : memref<!tpu.dma_semaphore, #tpu.memory_space<semaphore_mem>>) src(%dma_wait3A_298 : memref<384x768xf32, #tpu.memory_space<hbm>>) dst(%dma_wait3A_294 : memref<384x768xf32, #tpu.memory_space<vmem>>)
      %dma_wait3A_299 = arith.constant 1 : i32
      %dma_wait3A_300 = tpu.memref_slice %arg7[%rem3A_287, %dma_wait3A_299] : memref<4x2x!tpu.dma_semaphore, #tpu.memory_space<semaphore_mem>> -> memref<1x1x!tpu.dma_semaphore, #tpu.memory_space<semaphore_mem>>
      %dma_wait3A_301 = tpu.memref_squeeze %dma_wait3A_300 : memref<1x1x!tpu.dma_semaphore, #tpu.memory_space<semaphore_mem>> -> memref<!tpu.dma_semaphore, #tpu.memory_space<semaphore_mem>>
      %dma_wait3A_302 = arith.constant 384 : i32
      %dma_wait3A_303 = arith.constant 0 : i32
      %dma_wait3A_304 = tpu.memref_slice %arg6[%rem3A_287, %dma_wait3A_302, %dma_wait3A_303] : memref<4x768x768xf32, #tpu.memory_space<vmem>> -> memref<1x384x768xf32, #tpu.memory_space<vmem>>
      %dma_wait3A_305 = tpu.memref_squeeze %dma_wait3A_304 : memref<1x384x768xf32, #tpu.memory_space<vmem>> -> memref<384x768xf32, #tpu.memory_space<vmem>>
      %dma_wait3A_306 = arith.constant 384 : i32
      %dma_wait3A_307 = arith.constant 0 : i32
      %dma_wait3A_308 = tpu.memref_slice %arg1[%scan3A_284, %dma_wait3A_306, %dma_wait3A_307] : memref<64x768x768xf32, #tpu.memory_space<hbm>> -> memref<1x384x768xf32, #tpu.memory_space<hbm>>
      %dma_wait3A_309 = tpu.memref_squeeze %dma_wait3A_308 : memref<1x384x768xf32, #tpu.memory_space<hbm>> -> memref<384x768xf32, #tpu.memory_space<hbm>>
      tpu.wait_dma2 semaphore(%dma_wait3A_301 : memref<!tpu.dma_semaphore, #tpu.memory_space<semaphore_mem>>) src(%dma_wait3A_309 : memref<384x768xf32, #tpu.memory_space<hbm>>) dst(%dma_wait3A_305 : memref<384x768xf32, #tpu.memory_space<vmem>>)
      %eq3A = arith.constant 0 : i32
      %eq3A_310 = arith.cmpi eq, %scan3A_284, %eq3A : i32
      %sub3A = arith.constant 1 : i32
      %sub3A_311 = arith.subi %scan3A_284, %sub3A : i32
      %max3A = arith.constant 0 : i32
      %max3A_312 = arith.maxsi %sub3A_311, %max3A : i32
      %get3A = arith.index_cast %max3A_312 : i32 to index
      %get3A_313 = memref.load %arg0[%get3A] : memref<64xi32, #tpu.memory_space<smem>>
      %jit3A = arith.constant 0 : i32
      %select_n3A = arith.select %eq3A_310, %jit3A, %get3A_313 : i32
      %get3A_314 = arith.index_cast %scan3A_284 : i32 to index
      %get3A_315 = memref.load %arg0[%get3A_314] : memref<64xi32, #tpu.memory_space<smem>>
      %jit3A_316 = arith.constant 8 : i32
      %div3A = arith.divsi %select_n3A, %jit3A_316 : i32
      %sign3A = arith.constant 0 : i32
      %sign3A_317 = arith.cmpi sgt, %select_n3A, %sign3A : i32
      %sign3A_318 = arith.extui %sign3A_317 : i1 to i32
      %sign3A_319 = arith.constant 0 : i32
      %sign3A_320 = arith.cmpi slt, %select_n3A, %sign3A_319 : i32
      %sign3A_321 = arith.extui %sign3A_320 : i1 to i32
      %sign3A_322 = arith.subi %sign3A_318, %sign3A_321 : i32
      %sign3A_323 = arith.constant 0 : i32
      %sign3A_324 = arith.cmpi sgt, %jit3A_316, %sign3A_323 : i32
      %sign3A_325 = arith.extui %sign3A_324 : i1 to i32
      %sign3A_326 = arith.constant 0 : i32
      %sign3A_327 = arith.cmpi slt, %jit3A_316, %sign3A_326 : i32
      %sign3A_328 = arith.extui %sign3A_327 : i1 to i32
      %sign3A_329 = arith.subi %sign3A_325, %sign3A_328 : i32
      %ne3A = arith.cmpi ne, %sign3A_322, %sign3A_329 : i32
      %rem3A_330 = arith.remsi %select_n3A, %jit3A_316 : i32
      %ne3A_331 = arith.constant 0 : i32
      %ne3A_332 = arith.cmpi ne, %rem3A_330, %ne3A_331 : i32
      %and3A = arith.andi %ne3A, %ne3A_332 : i1
      %sub3A_333 = arith.constant 1 : i32
      %sub3A_334 = arith.subi %div3A, %sub3A_333 : i32
      %select_n3A_335 = arith.select %and3A, %sub3A_334, %div3A : i32
      %mul3A = arith.constant 8 : i32
      %mul3A_336 = arith.muli %select_n3A_335, %mul3A : i32
      %sub3A_337 = arith.subi %get3A_315, %mul3A_336 : i32
      %add3A = arith.constant 64 : i32
      %add3A_338 = arith.addi %sub3A_337, %add3A : i32
      %sub3A_339 = arith.constant 1 : i32
      %sub3A_340 = arith.subi %add3A_338, %sub3A_339 : i32
      %jit3A_341 = arith.constant 64 : i32
      %div3A_342 = arith.divsi %sub3A_340, %jit3A_341 : i32
      %sign3A_343 = arith.constant 0 : i32
      %sign3A_344 = arith.cmpi sgt, %sub3A_340, %sign3A_343 : i32
      %sign3A_345 = arith.extui %sign3A_344 : i1 to i32
      %sign3A_346 = arith.constant 0 : i32
      %sign3A_347 = arith.cmpi slt, %sub3A_340, %sign3A_346 : i32
      %sign3A_348 = arith.extui %sign3A_347 : i1 to i32
      %sign3A_349 = arith.subi %sign3A_345, %sign3A_348 : i32
      %sign3A_350 = arith.constant 0 : i32
      %sign3A_351 = arith.cmpi sgt, %jit3A_341, %sign3A_350 : i32
      %sign3A_352 = arith.extui %sign3A_351 : i1 to i32
      %sign3A_353 = arith.constant 0 : i32
      %sign3A_354 = arith.cmpi slt, %jit3A_341, %sign3A_353 : i32
      %sign3A_355 = arith.extui %sign3A_354 : i1 to i32
      %sign3A_356 = arith.subi %sign3A_352, %sign3A_355 : i32
      %ne3A_357 = arith.cmpi ne, %sign3A_349, %sign3A_356 : i32
      %rem3A_358 = arith.remsi %sub3A_340, %jit3A_341 : i32
      %ne3A_359 = arith.constant 0 : i32
      %ne3A_360 = arith.cmpi ne, %rem3A_358, %ne3A_359 : i32
      %and3A_361 = arith.andi %ne3A_357, %ne3A_360 : i1
      %sub3A_362 = arith.constant 1 : i32
      %sub3A_363 = arith.subi %div3A_342, %sub3A_362 : i32
      %select_n3A_364 = arith.select %and3A_361, %sub3A_363, %div3A_342 : i32
      %while3A = arith.constant 0 : i32
      %while3A_365 = arith.constant 0 : i32
      %while3A_366 = arith.subi %select_n3A_364, %while3A : i32
      %while3A_367 = arith.addi %while3A, %while3A_366 : i32
      %while3A_368 = arith.constant 1 : i32
      %while3A_369 = arith.divsi %while3A_366, %while3A_368 : i32
      %while3A_370 = arith.muli %while3A_369, %while3A_368 : i32
      %while3A_371 = arith.addi %while3A, %while3A_370 : i32
      %while3A_372 = arith.constant 1 : i32
      %while3A_373 = scf.for %while3A_422 = %while3A to %while3A_371 step %while3A_372 iter_args(%while3A_423 = %while3A_365) -> (i32)  : i32 {
        %mul3A_424 = arith.constant 64 : i32
        %mul3A_425 = arith.muli %while3A_422, %mul3A_424 : i32
        %add3A_426 = arith.addi %mul3A_336, %mul3A_425 : i32
        %min3A = arith.constant 1984 : i32
        %min3A_427 = arith.minsi %add3A_426, %min3A : i32
        %multiple_of3A = tpu.assume_multiple %min3A_427, 8 : i32
        %get3A_428 = arith.index_cast %multiple_of3A : i32 to index
        %get3A_429 = arith.constant 0 : index
        %get3A_430 = vector.load %arg2[%get3A_428, %get3A_429] : memref<2048x768xf32, #tpu.memory_space<vmem>>, vector<64x768xf32>
        %get3A_431 = arith.index_cast %multiple_of3A : i32 to index
        %get3A_432 = arith.constant 0 : index
        %get3A_433 = vector.load %arg3[%get3A_431, %get3A_432] : memref<2048x128xf32, #tpu.memory_space<vmem>>, vector<64x1xf32>
        %mul3A_434 = vector.broadcast %get3A_433 : vector<64x1xf32> to vector<64x768xf32>
        %mul3A_435 = arith.mulf %get3A_430, %mul3A_434 : vector<64x768xf32>
        %get3A_436 = arith.index_cast %rem3A_287 : i32 to index
        %get3A_437 = arith.constant 0 : index
        %get3A_438 = arith.constant 0 : index
        %get3A_439 = vector.load %arg6[%get3A_436, %get3A_437, %get3A_438] : memref<4x768x768xf32, #tpu.memory_space<vmem>>, vector<1x768x768xf32>
        %get3A_440 = vector.shape_cast %get3A_439 : vector<1x768x768xf32> to vector<768x768xf32>
        %dot_general3A = arith.constant dense<0.000000e+00> : vector<64x768xf32>
        %dot_general3A_441 = tpu.matmul %mul3A_435, %get3A_440, %dot_general3A {dimension_numbers = #tpu.dot_dimension_numbers<[1], [1], [0], [0], [0, 0, 1, 0], [], []>, transpose_lhs_hint = false} : vector<64x768xf32>, vector<768x768xf32>, vector<64x768xf32> -> vector<64x768xf32>
        %iota3A = tpu.iota {dimensions = array<i32: 0>} : vector<64x768xi32>
        %add3A_442 = vector.broadcast %multiple_of3A : i32 to vector<64x768xi32>
        %add3A_443 = arith.addi %add3A_442, %iota3A : vector<64x768xi32>
        %ge3A = vector.broadcast %select_n3A : i32 to vector<64x768xi32>
        %ge3A_444 = arith.cmpi sge, %add3A_443, %ge3A : vector<64x768xi32>
        %lt3A_445 = vector.broadcast %get3A_315 : i32 to vector<64x768xi32>
        %lt3A_446 = arith.cmpi slt, %add3A_443, %lt3A_445 : vector<64x768xi32>
        %and3A_447 = arith.andi %ge3A_444, %lt3A_446 : vector<64x768xi1>
        %get3A_448 = arith.index_cast %multiple_of3A : i32 to index
        %get3A_449 = arith.constant 0 : index
        %get3A_450 = vector.load %arg5[%get3A_448, %get3A_449] : memref<2048x768xf32, #tpu.memory_space<vmem>>, vector<64x768xf32>
        %select_n3A_451 = arith.select %and3A_447, %dot_general3A_441, %get3A_450 : vector<64x768xi1>, vector<64x768xf32>
        %swap3A = arith.index_cast %multiple_of3A : i32 to index
        %swap3A_452 = arith.constant 0 : index
        %swap3A_453 = vector.load %arg5[%swap3A, %swap3A_452] : memref<2048x768xf32, #tpu.memory_space<vmem>>, vector<64x768xf32>
        tpu.vector_store %arg5[%swap3A, %swap3A_452], %select_n3A_451 {strides = array<i32>} : memref<2048x768xf32, #tpu.memory_space<vmem>>, vector<64x768xf32>,
        %while3A_454 = arith.constant 0 : i32
        scf.yield %while3A_454 : i32
      }
      %while3A_374 = arith.constant 1 : i32
      %while3A_375 = scf.for %while3A_422 = %while3A_371 to %while3A_367 step %while3A_374 iter_args(%while3A_423 = %while3A_373) -> (i32)  : i32 {
        %mul3A_424 = arith.constant 64 : i32
        %mul3A_425 = arith.muli %while3A_422, %mul3A_424 : i32
        %add3A_426 = arith.addi %mul3A_336, %mul3A_425 : i32
        %min3A = arith.constant 1984 : i32
        %min3A_427 = arith.minsi %add3A_426, %min3A : i32
        %multiple_of3A = tpu.assume_multiple %min3A_427, 8 : i32
        %get3A_428 = arith.index_cast %multiple_of3A : i32 to index
        %get3A_429 = arith.constant 0 : index
        %get3A_430 = vector.load %arg2[%get3A_428, %get3A_429] : memref<2048x768xf32, #tpu.memory_space<vmem>>, vector<64x768xf32>
        %get3A_431 = arith.index_cast %multiple_of3A : i32 to index
        %get3A_432 = arith.constant 0 : index
        %get3A_433 = vector.load %arg3[%get3A_431, %get3A_432] : memref<2048x128xf32, #tpu.memory_space<vmem>>, vector<64x1xf32>
        %mul3A_434 = vector.broadcast %get3A_433 : vector<64x1xf32> to vector<64x768xf32>
        %mul3A_435 = arith.mulf %get3A_430, %mul3A_434 : vector<64x768xf32>
        %get3A_436 = arith.index_cast %rem3A_287 : i32 to index
        %get3A_437 = arith.constant 0 : index
        %get3A_438 = arith.constant 0 : index
        %get3A_439 = vector.load %arg6[%get3A_436, %get3A_437, %get3A_438] : memref<4x768x768xf32, #tpu.memory_space<vmem>>, vector<1x768x768xf32>
        %get3A_440 = vector.shape_cast %get3A_439 : vector<1x768x768xf32> to vector<768x768xf32>
        %dot_general3A = arith.constant dense<0.000000e+00> : vector<64x768xf32>
        %dot_general3A_441 = tpu.matmul %mul3A_435, %get3A_440, %dot_general3A {dimension_numbers = #tpu.dot_dimension_numbers<[1], [1], [0], [0], [0, 0, 1, 0], [], []>, transpose_lhs_hint = false} : vector<64x768xf32>, vector<768x768xf32>, vector<64x768xf32> -> vector<64x768xf32>
        %iota3A = tpu.iota {dimensions = array<i32: 0>} : vector<64x768xi32>
        %add3A_442 = vector.broadcast %multiple_of3A : i32 to vector<64x768xi32>
        %add3A_443 = arith.addi %add3A_442, %iota3A : vector<64x768xi32>
        %ge3A = vector.broadcast %select_n3A : i32 to vector<64x768xi32>
        %ge3A_444 = arith.cmpi sge, %add3A_443, %ge3A : vector<64x768xi32>
        %lt3A_445 = vector.broadcast %get3A_315 : i32 to vector<64x768xi32>
        %lt3A_446 = arith.cmpi slt, %add3A_443, %lt3A_445 : vector<64x768xi32>
        %and3A_447 = arith.andi %ge3A_444, %lt3A_446 : vector<64x768xi1>
        %get3A_448 = arith.index_cast %multiple_of3A : i32 to index
        %get3A_449 = arith.constant 0 : index
        %get3A_450 = vector.load %arg5[%get3A_448, %get3A_449] : memref<2048x768xf32, #tpu.memory_space<vmem>>, vector<64x768xf32>
        %select_n3A_451 = arith.select %and3A_447, %dot_general3A_441, %get3A_450 : vector<64x768xi1>, vector<64x768xf32>
        %swap3A = arith.index_cast %multiple_of3A : i32 to index
        %swap3A_452 = arith.constant 0 : index
        %swap3A_453 = vector.load %arg5[%swap3A, %swap3A_452] : memref<2048x768xf32, #tpu.memory_space<vmem>>, vector<64x768xf32>
        tpu.vector_store %arg5[%swap3A, %swap3A_452], %select_n3A_451 {strides = array<i32>} : memref<2048x768xf32, #tpu.memory_space<vmem>>, vector<64x768xf32>,
        %while3A_454 = arith.constant 0 : i32
        scf.yield %while3A_454 : i32
      }
      %add3A_376 = arith.constant 4 : i32
      %add3A_377 = arith.addi %scan3A_284, %add3A_376 : i32
      %lt3A = arith.constant 64 : i32
      %lt3A_378 = arith.cmpi slt, %add3A_377, %lt3A : i32
      %convert_element_type3A_379 = arith.extui %lt3A_378 : i1 to i32
      %cond3A_380 = arith.constant 0 : i32
      %cond3A_381 = arith.cmpi ne, %convert_element_type3A_379, %cond3A_380 : i32
      scf.if %cond3A_381 {
        %add3A_422 = arith.constant 4 : i32
        %add3A_423 = arith.addi %scan3A_284, %add3A_422 : i32
        %rem3A_424 = arith.constant 4 : i32
        %rem3A_425 = arith.remsi %add3A_423, %rem3A_424 : i32
        %dma_start3A_426 = arith.constant 0 : i32
        %dma_start3A_427 = tpu.memref_slice %arg7[%rem3A_425, %dma_start3A_426] : memref<4x2x!tpu.dma_semaphore, #tpu.memory_space<semaphore_mem>> -> memref<1x1x!tpu.dma_semaphore, #tpu.memory_space<semaphore_mem>>
        %dma_start3A_428 = tpu.memref_squeeze %dma_start3A_427 : memref<1x1x!tpu.dma_semaphore, #tpu.memory_space<semaphore_mem>> -> memref<!tpu.dma_semaphore, #tpu.memory_space<semaphore_mem>>
        %dma_start3A_429 = arith.constant 0 : i32
        %dma_start3A_430 = arith.constant 0 : i32
        %dma_start3A_431 = tpu.memref_slice %arg6[%rem3A_425, %dma_start3A_429, %dma_start3A_430] : memref<4x768x768xf32, #tpu.memory_space<vmem>> -> memref<1x384x768xf32, #tpu.memory_space<vmem>>
        %dma_start3A_432 = tpu.memref_squeeze %dma_start3A_431 : memref<1x384x768xf32, #tpu.memory_space<vmem>> -> memref<384x768xf32, #tpu.memory_space<vmem>>
        %dma_start3A_433 = arith.constant 0 : i32
        %dma_start3A_434 = arith.constant 0 : i32
        %dma_start3A_435 = tpu.memref_slice %arg1[%add3A_423, %dma_start3A_433, %dma_start3A_434] : memref<64x768x768xf32, #tpu.memory_space<hbm>> -> memref<1x384x768xf32, #tpu.memory_space<hbm>>
        %dma_start3A_436 = tpu.memref_squeeze %dma_start3A_435 : memref<1x384x768xf32, #tpu.memory_space<hbm>> -> memref<384x768xf32, #tpu.memory_space<hbm>>
        tpu.enqueue_dma source(%dma_start3A_436 : memref<384x768xf32, #tpu.memory_space<hbm>>) target(%dma_start3A_432 : memref<384x768xf32, #tpu.memory_space<vmem>>) target_semaphore(%dma_start3A_428 : memref<!tpu.dma_semaphore, #tpu.memory_space<semaphore_mem>>)
        %dma_start3A_437 = arith.constant 1 : i32
        %dma_start3A_438 = tpu.memref_slice %arg7[%rem3A_425, %dma_start3A_437] : memref<4x2x!tpu.dma_semaphore, #tpu.memory_space<semaphore_mem>> -> memref<1x1x!tpu.dma_semaphore, #tpu.memory_space<semaphore_mem>>
        %dma_start3A_439 = tpu.memref_squeeze %dma_start3A_438 : memref<1x1x!tpu.dma_semaphore, #tpu.memory_space<semaphore_mem>> -> memref<!tpu.dma_semaphore, #tpu.memory_space<semaphore_mem>>
        %dma_start3A_440 = arith.constant 384 : i32
        %dma_start3A_441 = arith.constant 0 : i32
        %dma_start3A_442 = tpu.memref_slice %arg6[%rem3A_425, %dma_start3A_440, %dma_start3A_441] : memref<4x768x768xf32, #tpu.memory_space<vmem>> -> memref<1x384x768xf32, #tpu.memory_space<vmem>>
        %dma_start3A_443 = tpu.memref_squeeze %dma_start3A_442 : memref<1x384x768xf32, #tpu.memory_space<vmem>> -> memref<384x768xf32, #tpu.memory_space<vmem>>
        %dma_start3A_444 = arith.constant 384 : i32
        %dma_start3A_445 = arith.constant 0 : i32
        %dma_start3A_446 = tpu.memref_slice %arg1[%add3A_423, %dma_start3A_444, %dma_start3A_445] : memref<64x768x768xf32, #tpu.memory_space<hbm>> -> memref<1x384x768xf32, #tpu.memory_space<hbm>>
        %dma_start3A_447 = tpu.memref_squeeze %dma_start3A_446 : memref<1x384x768xf32, #tpu.memory_space<hbm>> -> memref<384x768xf32, #tpu.memory_space<hbm>>
        tpu.enqueue_dma source(%dma_start3A_447 : memref<384x768xf32, #tpu.memory_space<hbm>>) target(%dma_start3A_443 : memref<384x768xf32, #tpu.memory_space<vmem>>) target_semaphore(%dma_start3A_439 : memref<!tpu.dma_semaphore, #tpu.memory_space<semaphore_mem>>)
      } else {
      }
      %jit3A_382 = arith.constant 128 : i32
      %div3A_383 = arith.divsi %get3A_315, %jit3A_382 : i32
      %sign3A_384 = arith.constant 0 : i32
      %sign3A_385 = arith.cmpi sgt, %get3A_315, %sign3A_384 : i32
      %sign3A_386 = arith.extui %sign3A_385 : i1 to i32
      %sign3A_387 = arith.constant 0 : i32
      %sign3A_388 = arith.cmpi slt, %get3A_315, %sign3A_387 : i32
      %sign3A_389 = arith.extui %sign3A_388 : i1 to i32
      %sign3A_390 = arith.subi %sign3A_386, %sign3A_389 : i32
      %sign3A_391 = arith.constant 0 : i32
      %sign3A_392 = arith.cmpi sgt, %jit3A_382, %sign3A_391 : i32
      %sign3A_393 = arith.extui %sign3A_392 : i1 to i32
      %sign3A_394 = arith.constant 0 : i32
      %sign3A_395 = arith.cmpi slt, %jit3A_382, %sign3A_394 : i32
      %sign3A_396 = arith.extui %sign3A_395 : i1 to i32
      %sign3A_397 = arith.subi %sign3A_393, %sign3A_396 : i32
      %ne3A_398 = arith.cmpi ne, %sign3A_390, %sign3A_397 : i32
      %rem3A_399 = arith.remsi %get3A_315, %jit3A_382 : i32
      %ne3A_400 = arith.constant 0 : i32
      %ne3A_401 = arith.cmpi ne, %rem3A_399, %ne3A_400 : i32
      %and3A_402 = arith.andi %ne3A_398, %ne3A_401 : i1
      %sub3A_403 = arith.constant 1 : i32
      %sub3A_404 = arith.subi %div3A_383, %sub3A_403 : i32
      %select_n3A_405 = arith.select %and3A_402, %sub3A_404, %div3A_383 : i32
      %lt3A_406 = arith.cmpi slt, %scan3A_285, %select_n3A_405 : i32
      %convert_element_type3A_407 = arith.extui %lt3A_406 : i1 to i32
      %cond3A_408 = arith.constant 0 : i32
      %cond3A_409 = arith.cmpi ne, %convert_element_type3A_407, %cond3A_408 : i32
      scf.if %cond3A_409 {
        %mul3A_422 = arith.constant 128 : i32
        %mul3A_423 = arith.muli %scan3A_285, %mul3A_422 : i32
        %multiple_of3A = tpu.assume_multiple %mul3A_423, 128 : i32
        %dma_start3A_424 = arith.constant 0 : i32
        %dma_start3A_425 = tpu.memref_slice %arg4[%multiple_of3A, %dma_start3A_424] : memref<2048x768xf32, #tpu.memory_space<hbm>> -> memref<128x768xf32, #tpu.memory_space<hbm>>
        %dma_start3A_426 = arith.constant 0 : i32
        %dma_start3A_427 = tpu.memref_slice %arg5[%multiple_of3A, %dma_start3A_426] : memref<2048x768xf32, #tpu.memory_space<vmem>> -> memref<128x768xf32, #tpu.memory_space<vmem>>
        tpu.enqueue_dma source(%dma_start3A_427 : memref<128x768xf32, #tpu.memory_space<vmem>>) target(%dma_start3A_425 : memref<128x768xf32, #tpu.memory_space<hbm>>) target_semaphore(%arg8 : memref<!tpu.dma_semaphore, #tpu.memory_space<semaphore_mem>>)
      } else {
      }
      %lt3A_410 = arith.cmpi slt, %scan3A_285, %select_n3A_405 : i32
      %add3A_411 = arith.constant 1 : i32
      %add3A_412 = arith.addi %scan3A_285, %add3A_411 : i32
      %select_n3A_413 = arith.select %lt3A_410, %add3A_412, %scan3A_285 : i32
      %lt3A_414 = arith.cmpi slt, %select_n3A_413, %select_n3A_405 : i32
      %convert_element_type3A_415 = arith.extui %lt3A_414 : i1 to i32
      %cond3A_416 = arith.constant 0 : i32
      %cond3A_417 = arith.cmpi ne, %convert_element_type3A_415, %cond3A_416 : i32
      scf.if %cond3A_417 {
        %mul3A_422 = arith.constant 128 : i32
        %mul3A_423 = arith.muli %select_n3A_413, %mul3A_422 : i32
        %multiple_of3A = tpu.assume_multiple %mul3A_423, 128 : i32
        %dma_start3A_424 = arith.constant 0 : i32
        %dma_start3A_425 = tpu.memref_slice %arg4[%multiple_of3A, %dma_start3A_424] : memref<2048x768xf32, #tpu.memory_space<hbm>> -> memref<128x768xf32, #tpu.memory_space<hbm>>
        %dma_start3A_426 = arith.constant 0 : i32
        %dma_start3A_427 = tpu.memref_slice %arg5[%multiple_of3A, %dma_start3A_426] : memref<2048x768xf32, #tpu.memory_space<vmem>> -> memref<128x768xf32, #tpu.memory_space<vmem>>
        tpu.enqueue_dma source(%dma_start3A_427 : memref<128x768xf32, #tpu.memory_space<vmem>>) target(%dma_start3A_425 : memref<128x768xf32, #tpu.memory_space<hbm>>) target_semaphore(%arg8 : memref<!tpu.dma_semaphore, #tpu.memory_space<semaphore_mem>>)
      } else {
      }
      %lt3A_418 = arith.cmpi slt, %select_n3A_413, %select_n3A_405 : i32
      %add3A_419 = arith.constant 1 : i32
      %add3A_420 = arith.addi %select_n3A_413, %add3A_419 : i32
      %select_n3A_421 = arith.select %lt3A_418, %add3A_420, %select_n3A_413 : i32
      scf.yield %select_n3A_421 : i32
    }
    %scan3A_111 = arith.constant 64 : i32
    %le3A = arith.constant 0 : i32
    %le3A_112 = arith.cmpi sle, %scan3A_110, %le3A : i32
    %convert_element_type3A = arith.extui %le3A_112 : i1 to i32
    %cond3A = arith.constant 0 : i32
    %cond3A_113 = arith.cmpi ne, %convert_element_type3A, %cond3A : i32
    scf.if %cond3A_113 {
      %mul3A = arith.constant 0 : i32
      %mul3A_284 = arith.constant 128 : i32
      %mul3A_285 = arith.muli %mul3A, %mul3A_284 : i32
      %multiple_of3A = tpu.assume_multiple %mul3A_285, 128 : i32
      %dma_start3A_286 = arith.constant 0 : i32
      %dma_start3A_287 = tpu.memref_slice %arg4[%multiple_of3A, %dma_start3A_286] : memref<2048x768xf32, #tpu.memory_space<hbm>> -> memref<128x768xf32, #tpu.memory_space<hbm>>
      %dma_start3A_288 = arith.constant 0 : i32
      %dma_start3A_289 = tpu.memref_slice %arg5[%multiple_of3A, %dma_start3A_288] : memref<2048x768xf32, #tpu.memory_space<vmem>> -> memref<128x768xf32, #tpu.memory_space<vmem>>
      tpu.enqueue_dma source(%dma_start3A_289 : memref<128x768xf32, #tpu.memory_space<vmem>>) target(%dma_start3A_287 : memref<128x768xf32, #tpu.memory_space<hbm>>) target_semaphore(%arg8 : memref<!tpu.dma_semaphore, #tpu.memory_space<semaphore_mem>>)
    } else {
    }
    %le3A_114 = arith.constant 1 : i32
    %le3A_115 = arith.cmpi sle, %scan3A_110, %le3A_114 : i32
    %convert_element_type3A_116 = arith.extui %le3A_115 : i1 to i32
    %cond3A_117 = arith.constant 0 : i32
    %cond3A_118 = arith.cmpi ne, %convert_element_type3A_116, %cond3A_117 : i32
    scf.if %cond3A_118 {
      %mul3A = arith.constant 1 : i32
      %mul3A_284 = arith.constant 128 : i32
      %mul3A_285 = arith.muli %mul3A, %mul3A_284 : i32
      %multiple_of3A = tpu.assume_multiple %mul3A_285, 128 : i32
      %dma_start3A_286 = arith.constant 0 : i32
      %dma_start3A_287 = tpu.memref_slice %arg4[%multiple_of3A, %dma_start3A_286] : memref<2048x768xf32, #tpu.memory_space<hbm>> -> memref<128x768xf32, #tpu.memory_space<hbm>>
      %dma_start3A_288 = arith.constant 0 : i32
      %dma_start3A_289 = tpu.memref_slice %arg5[%multiple_of3A, %dma_start3A_288] : memref<2048x768xf32, #tpu.memory_space<vmem>> -> memref<128x768xf32, #tpu.memory_space<vmem>>
      tpu.enqueue_dma source(%dma_start3A_289 : memref<128x768xf32, #tpu.memory_space<vmem>>) target(%dma_start3A_287 : memref<128x768xf32, #tpu.memory_space<hbm>>) target_semaphore(%arg8 : memref<!tpu.dma_semaphore, #tpu.memory_space<semaphore_mem>>)
    } else {
    }
    %le3A_119 = arith.constant 2 : i32
    %le3A_120 = arith.cmpi sle, %scan3A_110, %le3A_119 : i32
    %convert_element_type3A_121 = arith.extui %le3A_120 : i1 to i32
    %cond3A_122 = arith.constant 0 : i32
    %cond3A_123 = arith.cmpi ne, %convert_element_type3A_121, %cond3A_122 : i32
    scf.if %cond3A_123 {
      %mul3A = arith.constant 2 : i32
      %mul3A_284 = arith.constant 128 : i32
      %mul3A_285 = arith.muli %mul3A, %mul3A_284 : i32
      %multiple_of3A = tpu.assume_multiple %mul3A_285, 128 : i32
      %dma_start3A_286 = arith.constant 0 : i32
      %dma_start3A_287 = tpu.memref_slice %arg4[%multiple_of3A, %dma_start3A_286] : memref<2048x768xf32, #tpu.memory_space<hbm>> -> memref<128x768xf32, #tpu.memory_space<hbm>>
      %dma_start3A_288 = arith.constant 0 : i32
      %dma_start3A_289 = tpu.memref_slice %arg5[%multiple_of3A, %dma_start3A_288] : memref<2048x768xf32, #tpu.memory_space<vmem>> -> memref<128x768xf32, #tpu.memory_space<vmem>>
      tpu.enqueue_dma source(%dma_start3A_289 : memref<128x768xf32, #tpu.memory_space<vmem>>) target(%dma_start3A_287 : memref<128x768xf32, #tpu.memory_space<hbm>>) target_semaphore(%arg8 : memref<!tpu.dma_semaphore, #tpu.memory_space<semaphore_mem>>)
    } else {
    }
    %le3A_124 = arith.constant 3 : i32
    %le3A_125 = arith.cmpi sle, %scan3A_110, %le3A_124 : i32
    %convert_element_type3A_126 = arith.extui %le3A_125 : i1 to i32
    %cond3A_127 = arith.constant 0 : i32
    %cond3A_128 = arith.cmpi ne, %convert_element_type3A_126, %cond3A_127 : i32
    scf.if %cond3A_128 {
      %mul3A = arith.constant 3 : i32
      %mul3A_284 = arith.constant 128 : i32
      %mul3A_285 = arith.muli %mul3A, %mul3A_284 : i32
      %multiple_of3A = tpu.assume_multiple %mul3A_285, 128 : i32
      %dma_start3A_286 = arith.constant 0 : i32
      %dma_start3A_287 = tpu.memref_slice %arg4[%multiple_of3A, %dma_start3A_286] : memref<2048x768xf32, #tpu.memory_space<hbm>> -> memref<128x768xf32, #tpu.memory_space<hbm>>
      %dma_start3A_288 = arith.constant 0 : i32
      %dma_start3A_289 = tpu.memref_slice %arg5[%multiple_of3A, %dma_start3A_288] : memref<2048x768xf32, #tpu.memory_space<vmem>> -> memref<128x768xf32, #tpu.memory_space<vmem>>
      tpu.enqueue_dma source(%dma_start3A_289 : memref<128x768xf32, #tpu.memory_space<vmem>>) target(%dma_start3A_287 : memref<128x768xf32, #tpu.memory_space<hbm>>) target_semaphore(%arg8 : memref<!tpu.dma_semaphore, #tpu.memory_space<semaphore_mem>>)
    } else {
    }
    %le3A_129 = arith.constant 4 : i32
    %le3A_130 = arith.cmpi sle, %scan3A_110, %le3A_129 : i32
    %convert_element_type3A_131 = arith.extui %le3A_130 : i1 to i32
    %cond3A_132 = arith.constant 0 : i32
    %cond3A_133 = arith.cmpi ne, %convert_element_type3A_131, %cond3A_132 : i32
    scf.if %cond3A_133 {
      %mul3A = arith.constant 4 : i32
      %mul3A_284 = arith.constant 128 : i32
      %mul3A_285 = arith.muli %mul3A, %mul3A_284 : i32
      %multiple_of3A = tpu.assume_multiple %mul3A_285, 128 : i32
      %dma_start3A_286 = arith.constant 0 : i32
      %dma_start3A_287 = tpu.memref_slice %arg4[%multiple_of3A, %dma_start3A_286] : memref<2048x768xf32, #tpu.memory_space<hbm>> -> memref<128x768xf32, #tpu.memory_space<hbm>>
      %dma_start3A_288 = arith.constant 0 : i32
      %dma_start3A_289 = tpu.memref_slice %arg5[%multiple_of3A, %dma_start3A_288] : memref<2048x768xf32, #tpu.memory_space<vmem>> -> memref<128x768xf32, #tpu.memory_space<vmem>>
      tpu.enqueue_dma source(%dma_start3A_289 : memref<128x768xf32, #tpu.memory_space<vmem>>) target(%dma_start3A_287 : memref<128x768xf32, #tpu.memory_space<hbm>>) target_semaphore(%arg8 : memref<!tpu.dma_semaphore, #tpu.memory_space<semaphore_mem>>)
    } else {
    }
    %le3A_134 = arith.constant 5 : i32
    %le3A_135 = arith.cmpi sle, %scan3A_110, %le3A_134 : i32
    %convert_element_type3A_136 = arith.extui %le3A_135 : i1 to i32
    %cond3A_137 = arith.constant 0 : i32
    %cond3A_138 = arith.cmpi ne, %convert_element_type3A_136, %cond3A_137 : i32
    scf.if %cond3A_138 {
      %mul3A = arith.constant 5 : i32
      %mul3A_284 = arith.constant 128 : i32
      %mul3A_285 = arith.muli %mul3A, %mul3A_284 : i32
      %multiple_of3A = tpu.assume_multiple %mul3A_285, 128 : i32
      %dma_start3A_286 = arith.constant 0 : i32
      %dma_start3A_287 = tpu.memref_slice %arg4[%multiple_of3A, %dma_start3A_286] : memref<2048x768xf32, #tpu.memory_space<hbm>> -> memref<128x768xf32, #tpu.memory_space<hbm>>
      %dma_start3A_288 = arith.constant 0 : i32
      %dma_start3A_289 = tpu.memref_slice %arg5[%multiple_of3A, %dma_start3A_288] : memref<2048x768xf32, #tpu.memory_space<vmem>> -> memref<128x768xf32, #tpu.memory_space<vmem>>
      tpu.enqueue_dma source(%dma_start3A_289 : memref<128x768xf32, #tpu.memory_space<vmem>>) target(%dma_start3A_287 : memref<128x768xf32, #tpu.memory_space<hbm>>) target_semaphore(%arg8 : memref<!tpu.dma_semaphore, #tpu.memory_space<semaphore_mem>>)
    } else {
    }
    %le3A_139 = arith.constant 6 : i32
    %le3A_140 = arith.cmpi sle, %scan3A_110, %le3A_139 : i32
    %convert_element_type3A_141 = arith.extui %le3A_140 : i1 to i32
    %cond3A_142 = arith.constant 0 : i32
    %cond3A_143 = arith.cmpi ne, %convert_element_type3A_141, %cond3A_142 : i32
    scf.if %cond3A_143 {
      %mul3A = arith.constant 6 : i32
      %mul3A_284 = arith.constant 128 : i32
      %mul3A_285 = arith.muli %mul3A, %mul3A_284 : i32
      %multiple_of3A = tpu.assume_multiple %mul3A_285, 128 : i32
      %dma_start3A_286 = arith.constant 0 : i32
      %dma_start3A_287 = tpu.memref_slice %arg4[%multiple_of3A, %dma_start3A_286] : memref<2048x768xf32, #tpu.memory_space<hbm>> -> memref<128x768xf32, #tpu.memory_space<hbm>>
      %dma_start3A_288 = arith.constant 0 : i32
      %dma_start3A_289 = tpu.memref_slice %arg5[%multiple_of3A, %dma_start3A_288] : memref<2048x768xf32, #tpu.memory_space<vmem>> -> memref<128x768xf32, #tpu.memory_space<vmem>>
      tpu.enqueue_dma source(%dma_start3A_289 : memref<128x768xf32, #tpu.memory_space<vmem>>) target(%dma_start3A_287 : memref<128x768xf32, #tpu.memory_space<hbm>>) target_semaphore(%arg8 : memref<!tpu.dma_semaphore, #tpu.memory_space<semaphore_mem>>)
    } else {
    }
    %le3A_144 = arith.constant 7 : i32
    %le3A_145 = arith.cmpi sle, %scan3A_110, %le3A_144 : i32
    %convert_element_type3A_146 = arith.extui %le3A_145 : i1 to i32
    %cond3A_147 = arith.constant 0 : i32
    %cond3A_148 = arith.cmpi ne, %convert_element_type3A_146, %cond3A_147 : i32
    scf.if %cond3A_148 {
      %mul3A = arith.constant 7 : i32
      %mul3A_284 = arith.constant 128 : i32
      %mul3A_285 = arith.muli %mul3A, %mul3A_284 : i32
      %multiple_of3A = tpu.assume_multiple %mul3A_285, 128 : i32
      %dma_start3A_286 = arith.constant 0 : i32
      %dma_start3A_287 = tpu.memref_slice %arg4[%multiple_of3A, %dma_start3A_286] : memref<2048x768xf32, #tpu.memory_space<hbm>> -> memref<128x768xf32, #tpu.memory_space<hbm>>
      %dma_start3A_288 = arith.constant 0 : i32
      %dma_start3A_289 = tpu.memref_slice %arg5[%multiple_of3A, %dma_start3A_288] : memref<2048x768xf32, #tpu.memory_space<vmem>> -> memref<128x768xf32, #tpu.memory_space<vmem>>
      tpu.enqueue_dma source(%dma_start3A_289 : memref<128x768xf32, #tpu.memory_space<vmem>>) target(%dma_start3A_287 : memref<128x768xf32, #tpu.memory_space<hbm>>) target_semaphore(%arg8 : memref<!tpu.dma_semaphore, #tpu.memory_space<semaphore_mem>>)
    } else {
    }
    %le3A_149 = arith.constant 8 : i32
    %le3A_150 = arith.cmpi sle, %scan3A_110, %le3A_149 : i32
    %convert_element_type3A_151 = arith.extui %le3A_150 : i1 to i32
    %cond3A_152 = arith.constant 0 : i32
    %cond3A_153 = arith.cmpi ne, %convert_element_type3A_151, %cond3A_152 : i32
    scf.if %cond3A_153 {
      %mul3A = arith.constant 8 : i32
      %mul3A_284 = arith.constant 128 : i32
      %mul3A_285 = arith.muli %mul3A, %mul3A_284 : i32
      %multiple_of3A = tpu.assume_multiple %mul3A_285, 128 : i32
      %dma_start3A_286 = arith.constant 0 : i32
      %dma_start3A_287 = tpu.memref_slice %arg4[%multiple_of3A, %dma_start3A_286] : memref<2048x768xf32, #tpu.memory_space<hbm>> -> memref<128x768xf32, #tpu.memory_space<hbm>>
      %dma_start3A_288 = arith.constant 0 : i32
      %dma_start3A_289 = tpu.memref_slice %arg5[%multiple_of3A, %dma_start3A_288] : memref<2048x768xf32, #tpu.memory_space<vmem>> -> memref<128x768xf32, #tpu.memory_space<vmem>>
      tpu.enqueue_dma source(%dma_start3A_289 : memref<128x768xf32, #tpu.memory_space<vmem>>) target(%dma_start3A_287 : memref<128x768xf32, #tpu.memory_space<hbm>>) target_semaphore(%arg8 : memref<!tpu.dma_semaphore, #tpu.memory_space<semaphore_mem>>)
    } else {
    }
    %le3A_154 = arith.constant 9 : i32
    %le3A_155 = arith.cmpi sle, %scan3A_110, %le3A_154 : i32
    %convert_element_type3A_156 = arith.extui %le3A_155 : i1 to i32
    %cond3A_157 = arith.constant 0 : i32
    %cond3A_158 = arith.cmpi ne, %convert_element_type3A_156, %cond3A_157 : i32
    scf.if %cond3A_158 {
      %mul3A = arith.constant 9 : i32
      %mul3A_284 = arith.constant 128 : i32
      %mul3A_285 = arith.muli %mul3A, %mul3A_284 : i32
      %multiple_of3A = tpu.assume_multiple %mul3A_285, 128 : i32
      %dma_start3A_286 = arith.constant 0 : i32
      %dma_start3A_287 = tpu.memref_slice %arg4[%multiple_of3A, %dma_start3A_286] : memref<2048x768xf32, #tpu.memory_space<hbm>> -> memref<128x768xf32, #tpu.memory_space<hbm>>
      %dma_start3A_288 = arith.constant 0 : i32
      %dma_start3A_289 = tpu.memref_slice %arg5[%multiple_of3A, %dma_start3A_288] : memref<2048x768xf32, #tpu.memory_space<vmem>> -> memref<128x768xf32, #tpu.memory_space<vmem>>
      tpu.enqueue_dma source(%dma_start3A_289 : memref<128x768xf32, #tpu.memory_space<vmem>>) target(%dma_start3A_287 : memref<128x768xf32, #tpu.memory_space<hbm>>) target_semaphore(%arg8 : memref<!tpu.dma_semaphore, #tpu.memory_space<semaphore_mem>>)
    } else {
    }
    %le3A_159 = arith.constant 10 : i32
    %le3A_160 = arith.cmpi sle, %scan3A_110, %le3A_159 : i32
    %convert_element_type3A_161 = arith.extui %le3A_160 : i1 to i32
    %cond3A_162 = arith.constant 0 : i32
    %cond3A_163 = arith.cmpi ne, %convert_element_type3A_161, %cond3A_162 : i32
    scf.if %cond3A_163 {
      %mul3A = arith.constant 10 : i32
      %mul3A_284 = arith.constant 128 : i32
      %mul3A_285 = arith.muli %mul3A, %mul3A_284 : i32
      %multiple_of3A = tpu.assume_multiple %mul3A_285, 128 : i32
      %dma_start3A_286 = arith.constant 0 : i32
      %dma_start3A_287 = tpu.memref_slice %arg4[%multiple_of3A, %dma_start3A_286] : memref<2048x768xf32, #tpu.memory_space<hbm>> -> memref<128x768xf32, #tpu.memory_space<hbm>>
      %dma_start3A_288 = arith.constant 0 : i32
      %dma_start3A_289 = tpu.memref_slice %arg5[%multiple_of3A, %dma_start3A_288] : memref<2048x768xf32, #tpu.memory_space<vmem>> -> memref<128x768xf32, #tpu.memory_space<vmem>>
      tpu.enqueue_dma source(%dma_start3A_289 : memref<128x768xf32, #tpu.memory_space<vmem>>) target(%dma_start3A_287 : memref<128x768xf32, #tpu.memory_space<hbm>>) target_semaphore(%arg8 : memref<!tpu.dma_semaphore, #tpu.memory_space<semaphore_mem>>)
    } else {
    }
    %le3A_164 = arith.constant 11 : i32
    %le3A_165 = arith.cmpi sle, %scan3A_110, %le3A_164 : i32
    %convert_element_type3A_166 = arith.extui %le3A_165 : i1 to i32
    %cond3A_167 = arith.constant 0 : i32
    %cond3A_168 = arith.cmpi ne, %convert_element_type3A_166, %cond3A_167 : i32
    scf.if %cond3A_168 {
      %mul3A = arith.constant 11 : i32
      %mul3A_284 = arith.constant 128 : i32
      %mul3A_285 = arith.muli %mul3A, %mul3A_284 : i32
      %multiple_of3A = tpu.assume_multiple %mul3A_285, 128 : i32
      %dma_start3A_286 = arith.constant 0 : i32
      %dma_start3A_287 = tpu.memref_slice %arg4[%multiple_of3A, %dma_start3A_286] : memref<2048x768xf32, #tpu.memory_space<hbm>> -> memref<128x768xf32, #tpu.memory_space<hbm>>
      %dma_start3A_288 = arith.constant 0 : i32
      %dma_start3A_289 = tpu.memref_slice %arg5[%multiple_of3A, %dma_start3A_288] : memref<2048x768xf32, #tpu.memory_space<vmem>> -> memref<128x768xf32, #tpu.memory_space<vmem>>
      tpu.enqueue_dma source(%dma_start3A_289 : memref<128x768xf32, #tpu.memory_space<vmem>>) target(%dma_start3A_287 : memref<128x768xf32, #tpu.memory_space<hbm>>) target_semaphore(%arg8 : memref<!tpu.dma_semaphore, #tpu.memory_space<semaphore_mem>>)
    } else {
    }
    %le3A_169 = arith.constant 12 : i32
    %le3A_170 = arith.cmpi sle, %scan3A_110, %le3A_169 : i32
    %convert_element_type3A_171 = arith.extui %le3A_170 : i1 to i32
    %cond3A_172 = arith.constant 0 : i32
    %cond3A_173 = arith.cmpi ne, %convert_element_type3A_171, %cond3A_172 : i32
    scf.if %cond3A_173 {
      %mul3A = arith.constant 12 : i32
      %mul3A_284 = arith.constant 128 : i32
      %mul3A_285 = arith.muli %mul3A, %mul3A_284 : i32
      %multiple_of3A = tpu.assume_multiple %mul3A_285, 128 : i32
      %dma_start3A_286 = arith.constant 0 : i32
      %dma_start3A_287 = tpu.memref_slice %arg4[%multiple_of3A, %dma_start3A_286] : memref<2048x768xf32, #tpu.memory_space<hbm>> -> memref<128x768xf32, #tpu.memory_space<hbm>>
      %dma_start3A_288 = arith.constant 0 : i32
      %dma_start3A_289 = tpu.memref_slice %arg5[%multiple_of3A, %dma_start3A_288] : memref<2048x768xf32, #tpu.memory_space<vmem>> -> memref<128x768xf32, #tpu.memory_space<vmem>>
      tpu.enqueue_dma source(%dma_start3A_289 : memref<128x768xf32, #tpu.memory_space<vmem>>) target(%dma_start3A_287 : memref<128x768xf32, #tpu.memory_space<hbm>>) target_semaphore(%arg8 : memref<!tpu.dma_semaphore, #tpu.memory_space<semaphore_mem>>)
    } else {
    }
    %le3A_174 = arith.constant 13 : i32
    %le3A_175 = arith.cmpi sle, %scan3A_110, %le3A_174 : i32
    %convert_element_type3A_176 = arith.extui %le3A_175 : i1 to i32
    %cond3A_177 = arith.constant 0 : i32
    %cond3A_178 = arith.cmpi ne, %convert_element_type3A_176, %cond3A_177 : i32
    scf.if %cond3A_178 {
      %mul3A = arith.constant 13 : i32
      %mul3A_284 = arith.constant 128 : i32
      %mul3A_285 = arith.muli %mul3A, %mul3A_284 : i32
      %multiple_of3A = tpu.assume_multiple %mul3A_285, 128 : i32
      %dma_start3A_286 = arith.constant 0 : i32
      %dma_start3A_287 = tpu.memref_slice %arg4[%multiple_of3A, %dma_start3A_286] : memref<2048x768xf32, #tpu.memory_space<hbm>> -> memref<128x768xf32, #tpu.memory_space<hbm>>
      %dma_start3A_288 = arith.constant 0 : i32
      %dma_start3A_289 = tpu.memref_slice %arg5[%multiple_of3A, %dma_start3A_288] : memref<2048x768xf32, #tpu.memory_space<vmem>> -> memref<128x768xf32, #tpu.memory_space<vmem>>
      tpu.enqueue_dma source(%dma_start3A_289 : memref<128x768xf32, #tpu.memory_space<vmem>>) target(%dma_start3A_287 : memref<128x768xf32, #tpu.memory_space<hbm>>) target_semaphore(%arg8 : memref<!tpu.dma_semaphore, #tpu.memory_space<semaphore_mem>>)
    } else {
    }
    %le3A_179 = arith.constant 14 : i32
    %le3A_180 = arith.cmpi sle, %scan3A_110, %le3A_179 : i32
    %convert_element_type3A_181 = arith.extui %le3A_180 : i1 to i32
    %cond3A_182 = arith.constant 0 : i32
    %cond3A_183 = arith.cmpi ne, %convert_element_type3A_181, %cond3A_182 : i32
    scf.if %cond3A_183 {
      %mul3A = arith.constant 14 : i32
      %mul3A_284 = arith.constant 128 : i32
      %mul3A_285 = arith.muli %mul3A, %mul3A_284 : i32
      %multiple_of3A = tpu.assume_multiple %mul3A_285, 128 : i32
      %dma_start3A_286 = arith.constant 0 : i32
      %dma_start3A_287 = tpu.memref_slice %arg4[%multiple_of3A, %dma_start3A_286] : memref<2048x768xf32, #tpu.memory_space<hbm>> -> memref<128x768xf32, #tpu.memory_space<hbm>>
      %dma_start3A_288 = arith.constant 0 : i32
      %dma_start3A_289 = tpu.memref_slice %arg5[%multiple_of3A, %dma_start3A_288] : memref<2048x768xf32, #tpu.memory_space<vmem>> -> memref<128x768xf32, #tpu.memory_space<vmem>>
      tpu.enqueue_dma source(%dma_start3A_289 : memref<128x768xf32, #tpu.memory_space<vmem>>) target(%dma_start3A_287 : memref<128x768xf32, #tpu.memory_space<hbm>>) target_semaphore(%arg8 : memref<!tpu.dma_semaphore, #tpu.memory_space<semaphore_mem>>)
    } else {
    }
    %le3A_184 = arith.constant 15 : i32
    %le3A_185 = arith.cmpi sle, %scan3A_110, %le3A_184 : i32
    %convert_element_type3A_186 = arith.extui %le3A_185 : i1 to i32
    %cond3A_187 = arith.constant 0 : i32
    %cond3A_188 = arith.cmpi ne, %convert_element_type3A_186, %cond3A_187 : i32
    scf.if %cond3A_188 {
      %mul3A = arith.constant 15 : i32
      %mul3A_284 = arith.constant 128 : i32
      %mul3A_285 = arith.muli %mul3A, %mul3A_284 : i32
      %multiple_of3A = tpu.assume_multiple %mul3A_285, 128 : i32
      %dma_start3A_286 = arith.constant 0 : i32
      %dma_start3A_287 = tpu.memref_slice %arg4[%multiple_of3A, %dma_start3A_286] : memref<2048x768xf32, #tpu.memory_space<hbm>> -> memref<128x768xf32, #tpu.memory_space<hbm>>
      %dma_start3A_288 = arith.constant 0 : i32
      %dma_start3A_289 = tpu.memref_slice %arg5[%multiple_of3A, %dma_start3A_288] : memref<2048x768xf32, #tpu.memory_space<vmem>> -> memref<128x768xf32, #tpu.memory_space<vmem>>
      tpu.enqueue_dma source(%dma_start3A_289 : memref<128x768xf32, #tpu.memory_space<vmem>>) target(%dma_start3A_287 : memref<128x768xf32, #tpu.memory_space<hbm>>) target_semaphore(%arg8 : memref<!tpu.dma_semaphore, #tpu.memory_space<semaphore_mem>>)
    } else {
    }
    %dma_wait3A = arith.constant 0 : i32
    %dma_wait3A_189 = arith.constant 0 : i32
    %dma_wait3A_190 = tpu.memref_slice %arg4[%dma_wait3A, %dma_wait3A_189] : memref<2048x768xf32, #tpu.memory_space<hbm>> -> memref<128x768xf32, #tpu.memory_space<hbm>>
    %dma_wait3A_191 = arith.constant 0 : i32
    %dma_wait3A_192 = arith.constant 0 : i32
    %dma_wait3A_193 = tpu.memref_slice %arg5[%dma_wait3A_191, %dma_wait3A_192] : memref<2048x768xf32, #tpu.memory_space<vmem>> -> memref<128x768xf32, #tpu.memory_space<vmem>>
    tpu.wait_dma2 semaphore(%arg8 : memref<!tpu.dma_semaphore, #tpu.memory_space<semaphore_mem>>) src(%dma_wait3A_193 : memref<128x768xf32, #tpu.memory_space<vmem>>) dst(%dma_wait3A_190 : memref<128x768xf32, #tpu.memory_space<hbm>>)
    %dma_wait3A_194 = arith.constant 0 : i32
    %dma_wait3A_195 = arith.constant 0 : i32
    %dma_wait3A_196 = tpu.memref_slice %arg4[%dma_wait3A_194, %dma_wait3A_195] : memref<2048x768xf32, #tpu.memory_space<hbm>> -> memref<128x768xf32, #tpu.memory_space<hbm>>
    %dma_wait3A_197 = arith.constant 0 : i32
    %dma_wait3A_198 = arith.constant 0 : i32
    %dma_wait3A_199 = tpu.memref_slice %arg5[%dma_wait3A_197, %dma_wait3A_198] : memref<2048x768xf32, #tpu.memory_space<vmem>> -> memref<128x768xf32, #tpu.memory_space<vmem>>
    tpu.wait_dma2 semaphore(%arg8 : memref<!tpu.dma_semaphore, #tpu.memory_space<semaphore_mem>>) src(%dma_wait3A_199 : memref<128x768xf32, #tpu.memory_space<vmem>>) dst(%dma_wait3A_196 : memref<128x768xf32, #tpu.memory_space<hbm>>)
    %dma_wait3A_200 = arith.constant 0 : i32
    %dma_wait3A_201 = arith.constant 0 : i32
    %dma_wait3A_202 = tpu.memref_slice %arg4[%dma_wait3A_200, %dma_wait3A_201] : memref<2048x768xf32, #tpu.memory_space<hbm>> -> memref<128x768xf32, #tpu.memory_space<hbm>>
    %dma_wait3A_203 = arith.constant 0 : i32
    %dma_wait3A_204 = arith.constant 0 : i32
    %dma_wait3A_205 = tpu.memref_slice %arg5[%dma_wait3A_203, %dma_wait3A_204] : memref<2048x768xf32, #tpu.memory_space<vmem>> -> memref<128x768xf32, #tpu.memory_space<vmem>>
    tpu.wait_dma2 semaphore(%arg8 : memref<!tpu.dma_semaphore, #tpu.memory_space<semaphore_mem>>) src(%dma_wait3A_205 : memref<128x768xf32, #tpu.memory_space<vmem>>) dst(%dma_wait3A_202 : memref<128x768xf32, #tpu.memory_space<hbm>>)
    %dma_wait3A_206 = arith.constant 0 : i32
    %dma_wait3A_207 = arith.constant 0 : i32
    %dma_wait3A_208 = tpu.memref_slice %arg4[%dma_wait3A_206, %dma_wait3A_207] : memref<2048x768xf32, #tpu.memory_space<hbm>> -> memref<128x768xf32, #tpu.memory_space<hbm>>
    %dma_wait3A_209 = arith.constant 0 : i32
    %dma_wait3A_210 = arith.constant 0 : i32
    %dma_wait3A_211 = tpu.memref_slice %arg5[%dma_wait3A_209, %dma_wait3A_210] : memref<2048x768xf32, #tpu.memory_space<vmem>> -> memref<128x768xf32, #tpu.memory_space<vmem>>
    tpu.wait_dma2 semaphore(%arg8 : memref<!tpu.dma_semaphore, #tpu.memory_space<semaphore_mem>>) src(%dma_wait3A_211 : memref<128x768xf32, #tpu.memory_space<vmem>>) dst(%dma_wait3A_208 : memref<128x768xf32, #tpu.memory_space<hbm>>)
    %dma_wait3A_212 = arith.constant 0 : i32
    %dma_wait3A_213 = arith.constant 0 : i32
    %dma_wait3A_214 = tpu.memref_slice %arg4[%dma_wait3A_212, %dma_wait3A_213] : memref<2048x768xf32, #tpu.memory_space<hbm>> -> memref<128x768xf32, #tpu.memory_space<hbm>>
    %dma_wait3A_215 = arith.constant 0 : i32
    %dma_wait3A_216 = arith.constant 0 : i32
    %dma_wait3A_217 = tpu.memref_slice %arg5[%dma_wait3A_215, %dma_wait3A_216] : memref<2048x768xf32, #tpu.memory_space<vmem>> -> memref<128x768xf32, #tpu.memory_space<vmem>>
    tpu.wait_dma2 semaphore(%arg8 : memref<!tpu.dma_semaphore, #tpu.memory_space<semaphore_mem>>) src(%dma_wait3A_217 : memref<128x768xf32, #tpu.memory_space<vmem>>) dst(%dma_wait3A_214 : memref<128x768xf32, #tpu.memory_space<hbm>>)
    %dma_wait3A_218 = arith.constant 0 : i32
    %dma_wait3A_219 = arith.constant 0 : i32
    %dma_wait3A_220 = tpu.memref_slice %arg4[%dma_wait3A_218, %dma_wait3A_219] : memref<2048x768xf32, #tpu.memory_space<hbm>> -> memref<128x768xf32, #tpu.memory_space<hbm>>
    %dma_wait3A_221 = arith.constant 0 : i32
    %dma_wait3A_222 = arith.constant 0 : i32
    %dma_wait3A_223 = tpu.memref_slice %arg5[%dma_wait3A_221, %dma_wait3A_222] : memref<2048x768xf32, #tpu.memory_space<vmem>> -> memref<128x768xf32, #tpu.memory_space<vmem>>
    tpu.wait_dma2 semaphore(%arg8 : memref<!tpu.dma_semaphore, #tpu.memory_space<semaphore_mem>>) src(%dma_wait3A_223 : memref<128x768xf32, #tpu.memory_space<vmem>>) dst(%dma_wait3A_220 : memref<128x768xf32, #tpu.memory_space<hbm>>)
    %dma_wait3A_224 = arith.constant 0 : i32
    %dma_wait3A_225 = arith.constant 0 : i32
    %dma_wait3A_226 = tpu.memref_slice %arg4[%dma_wait3A_224, %dma_wait3A_225] : memref<2048x768xf32, #tpu.memory_space<hbm>> -> memref<128x768xf32, #tpu.memory_space<hbm>>
    %dma_wait3A_227 = arith.constant 0 : i32
    %dma_wait3A_228 = arith.constant 0 : i32
    %dma_wait3A_229 = tpu.memref_slice %arg5[%dma_wait3A_227, %dma_wait3A_228] : memref<2048x768xf32, #tpu.memory_space<vmem>> -> memref<128x768xf32, #tpu.memory_space<vmem>>
    tpu.wait_dma2 semaphore(%arg8 : memref<!tpu.dma_semaphore, #tpu.memory_space<semaphore_mem>>) src(%dma_wait3A_229 : memref<128x768xf32, #tpu.memory_space<vmem>>) dst(%dma_wait3A_226 : memref<128x768xf32, #tpu.memory_space<hbm>>)
    %dma_wait3A_230 = arith.constant 0 : i32
    %dma_wait3A_231 = arith.constant 0 : i32
    %dma_wait3A_232 = tpu.memref_slice %arg4[%dma_wait3A_230, %dma_wait3A_231] : memref<2048x768xf32, #tpu.memory_space<hbm>> -> memref<128x768xf32, #tpu.memory_space<hbm>>
    %dma_wait3A_233 = arith.constant 0 : i32
    %dma_wait3A_234 = arith.constant 0 : i32
    %dma_wait3A_235 = tpu.memref_slice %arg5[%dma_wait3A_233, %dma_wait3A_234] : memref<2048x768xf32, #tpu.memory_space<vmem>> -> memref<128x768xf32, #tpu.memory_space<vmem>>
    tpu.wait_dma2 semaphore(%arg8 : memref<!tpu.dma_semaphore, #tpu.memory_space<semaphore_mem>>) src(%dma_wait3A_235 : memref<128x768xf32, #tpu.memory_space<vmem>>) dst(%dma_wait3A_232 : memref<128x768xf32, #tpu.memory_space<hbm>>)
    %dma_wait3A_236 = arith.constant 0 : i32
    %dma_wait3A_237 = arith.constant 0 : i32
    %dma_wait3A_238 = tpu.memref_slice %arg4[%dma_wait3A_236, %dma_wait3A_237] : memref<2048x768xf32, #tpu.memory_space<hbm>> -> memref<128x768xf32, #tpu.memory_space<hbm>>
    %dma_wait3A_239 = arith.constant 0 : i32
    %dma_wait3A_240 = arith.constant 0 : i32
    %dma_wait3A_241 = tpu.memref_slice %arg5[%dma_wait3A_239, %dma_wait3A_240] : memref<2048x768xf32, #tpu.memory_space<vmem>> -> memref<128x768xf32, #tpu.memory_space<vmem>>
    tpu.wait_dma2 semaphore(%arg8 : memref<!tpu.dma_semaphore, #tpu.memory_space<semaphore_mem>>) src(%dma_wait3A_241 : memref<128x768xf32, #tpu.memory_space<vmem>>) dst(%dma_wait3A_238 : memref<128x768xf32, #tpu.memory_space<hbm>>)
    %dma_wait3A_242 = arith.constant 0 : i32
    %dma_wait3A_243 = arith.constant 0 : i32
    %dma_wait3A_244 = tpu.memref_slice %arg4[%dma_wait3A_242, %dma_wait3A_243] : memref<2048x768xf32, #tpu.memory_space<hbm>> -> memref<128x768xf32, #tpu.memory_space<hbm>>
    %dma_wait3A_245 = arith.constant 0 : i32
    %dma_wait3A_246 = arith.constant 0 : i32
    %dma_wait3A_247 = tpu.memref_slice %arg5[%dma_wait3A_245, %dma_wait3A_246] : memref<2048x768xf32, #tpu.memory_space<vmem>> -> memref<128x768xf32, #tpu.memory_space<vmem>>
    tpu.wait_dma2 semaphore(%arg8 : memref<!tpu.dma_semaphore, #tpu.memory_space<semaphore_mem>>) src(%dma_wait3A_247 : memref<128x768xf32, #tpu.memory_space<vmem>>) dst(%dma_wait3A_244 : memref<128x768xf32, #tpu.memory_space<hbm>>)
    %dma_wait3A_248 = arith.constant 0 : i32
    %dma_wait3A_249 = arith.constant 0 : i32
    %dma_wait3A_250 = tpu.memref_slice %arg4[%dma_wait3A_248, %dma_wait3A_249] : memref<2048x768xf32, #tpu.memory_space<hbm>> -> memref<128x768xf32, #tpu.memory_space<hbm>>
    %dma_wait3A_251 = arith.constant 0 : i32
    %dma_wait3A_252 = arith.constant 0 : i32
    %dma_wait3A_253 = tpu.memref_slice %arg5[%dma_wait3A_251, %dma_wait3A_252] : memref<2048x768xf32, #tpu.memory_space<vmem>> -> memref<128x768xf32, #tpu.memory_space<vmem>>
    tpu.wait_dma2 semaphore(%arg8 : memref<!tpu.dma_semaphore, #tpu.memory_space<semaphore_mem>>) src(%dma_wait3A_253 : memref<128x768xf32, #tpu.memory_space<vmem>>) dst(%dma_wait3A_250 : memref<128x768xf32, #tpu.memory_space<hbm>>)
    %dma_wait3A_254 = arith.constant 0 : i32
    %dma_wait3A_255 = arith.constant 0 : i32
    %dma_wait3A_256 = tpu.memref_slice %arg4[%dma_wait3A_254, %dma_wait3A_255] : memref<2048x768xf32, #tpu.memory_space<hbm>> -> memref<128x768xf32, #tpu.memory_space<hbm>>
    %dma_wait3A_257 = arith.constant 0 : i32
    %dma_wait3A_258 = arith.constant 0 : i32
    %dma_wait3A_259 = tpu.memref_slice %arg5[%dma_wait3A_257, %dma_wait3A_258] : memref<2048x768xf32, #tpu.memory_space<vmem>> -> memref<128x768xf32, #tpu.memory_space<vmem>>
    tpu.wait_dma2 semaphore(%arg8 : memref<!tpu.dma_semaphore, #tpu.memory_space<semaphore_mem>>) src(%dma_wait3A_259 : memref<128x768xf32, #tpu.memory_space<vmem>>) dst(%dma_wait3A_256 : memref<128x768xf32, #tpu.memory_space<hbm>>)
    %dma_wait3A_260 = arith.constant 0 : i32
    %dma_wait3A_261 = arith.constant 0 : i32
    %dma_wait3A_262 = tpu.memref_slice %arg4[%dma_wait3A_260, %dma_wait3A_261] : memref<2048x768xf32, #tpu.memory_space<hbm>> -> memref<128x768xf32, #tpu.memory_space<hbm>>
    %dma_wait3A_263 = arith.constant 0 : i32
    %dma_wait3A_264 = arith.constant 0 : i32
    %dma_wait3A_265 = tpu.memref_slice %arg5[%dma_wait3A_263, %dma_wait3A_264] : memref<2048x768xf32, #tpu.memory_space<vmem>> -> memref<128x768xf32, #tpu.memory_space<vmem>>
    tpu.wait_dma2 semaphore(%arg8 : memref<!tpu.dma_semaphore, #tpu.memory_space<semaphore_mem>>) src(%dma_wait3A_265 : memref<128x768xf32, #tpu.memory_space<vmem>>) dst(%dma_wait3A_262 : memref<128x768xf32, #tpu.memory_space<hbm>>)
    %dma_wait3A_266 = arith.constant 0 : i32
    %dma_wait3A_267 = arith.constant 0 : i32
    %dma_wait3A_268 = tpu.memref_slice %arg4[%dma_wait3A_266, %dma_wait3A_267] : memref<2048x768xf32, #tpu.memory_space<hbm>> -> memref<128x768xf32, #tpu.memory_space<hbm>>
    %dma_wait3A_269 = arith.constant 0 : i32
    %dma_wait3A_270 = arith.constant 0 : i32
    %dma_wait3A_271 = tpu.memref_slice %arg5[%dma_wait3A_269, %dma_wait3A_270] : memref<2048x768xf32, #tpu.memory_space<vmem>> -> memref<128x768xf32, #tpu.memory_space<vmem>>
    tpu.wait_dma2 semaphore(%arg8 : memref<!tpu.dma_semaphore, #tpu.memory_space<semaphore_mem>>) src(%dma_wait3A_271 : memref<128x768xf32, #tpu.memory_space<vmem>>) dst(%dma_wait3A_268 : memref<128x768xf32, #tpu.memory_space<hbm>>)
    %dma_wait3A_272 = arith.constant 0 : i32
    %dma_wait3A_273 = arith.constant 0 : i32
    %dma_wait3A_274 = tpu.memref_slice %arg4[%dma_wait3A_272, %dma_wait3A_273] : memref<2048x768xf32, #tpu.memory_space<hbm>> -> memref<128x768xf32, #tpu.memory_space<hbm>>
    %dma_wait3A_275 = arith.constant 0 : i32
    %dma_wait3A_276 = arith.constant 0 : i32
    %dma_wait3A_277 = tpu.memref_slice %arg5[%dma_wait3A_275, %dma_wait3A_276] : memref<2048x768xf32, #tpu.memory_space<vmem>> -> memref<128x768xf32, #tpu.memory_space<vmem>>
    tpu.wait_dma2 semaphore(%arg8 : memref<!tpu.dma_semaphore, #tpu.memory_space<semaphore_mem>>) src(%dma_wait3A_277 : memref<128x768xf32, #tpu.memory_space<vmem>>) dst(%dma_wait3A_274 : memref<128x768xf32, #tpu.memory_space<hbm>>)
    %dma_wait3A_278 = arith.constant 0 : i32
    %dma_wait3A_279 = arith.constant 0 : i32
    %dma_wait3A_280 = tpu.memref_slice %arg4[%dma_wait3A_278, %dma_wait3A_279] : memref<2048x768xf32, #tpu.memory_space<hbm>> -> memref<128x768xf32, #tpu.memory_space<hbm>>
    %dma_wait3A_281 = arith.constant 0 : i32
    %dma_wait3A_282 = arith.constant 0 : i32
    %dma_wait3A_283 = tpu.memref_slice %arg5[%dma_wait3A_281, %dma_wait3A_282] : memref<2048x768xf32, #tpu.memory_space<vmem>> -> memref<128x768xf32, #tpu.memory_space<vmem>>
    tpu.wait_dma2 semaphore(%arg8 : memref<!tpu.dma_semaphore, #tpu.memory_space<semaphore_mem>>) src(%dma_wait3A_283 : memref<128x768xf32, #tpu.memory_space<vmem>>) dst(%dma_wait3A_280 : memref<128x768xf32, #tpu.memory_space<hbm>>)
    return
  }
}

</mosaic_0001>

<sc_bundles>
// kernel: kernel.5.cloned.1.call-start
scs
__scs_entry_jumppad:
0x0: {  	(pc) =	sbr.rel $0x88, $3  }
0x1: {  	(tag) =	ssettag $0x0;
	lr =	simm.s32 $0x1  }
0x2: {  	[smem:$0x3F9B] =	sst lr;
	_ =	strace $0xD0000000  }
0x3: {  	_ = 	snop  }
0x4: {  	_ = 	snop  }
0x5: {  	_ = 	snop  }
0x6: {  	_ = 	snop  }
0x7: {  	_ = 	snop  }
__scs_overlays_trampoline_lowered:
0x8: {  	[smem:$0x3FAA] =	sst s0  }
0x9: {  	[smem:$0x3FAB] =	sst s1  }
0xa: {  	[smem:$0x3FAC] =	sst s2  }
0xb: {  	[smem:$0x3FAD] =	sst s3  }
0xc: {  	[smem:$0x3FAE] =	sst s4  }
0xd: {  	[smem:$0x3FAF] =	sst s5  }
0xe: {  	[smem:$0x3FB0] =	sst s6  }
0xf: {  	[smem:$0x3FB1] =	sst s7  }
0x10: {  	[smem:$0x3FB2] =	sst s8  }
0x11: {  	[smem:$0x3FB3] =	sst s9;
	s0 =	simm.s32 @!p0 $0x0  }
0x12: {  	s1 =	sld [smem:$0x3F99];
	s0 =	simm.s32 @p0 $0x1  }
0x13: {  	[smem:$0x3FB4] =	sst s0;
	s0 =	simm.s32 @!p1 $0x0  }
0x14: {  	s2 =	sld [smem:$0x3F98];
	s0 =	simm.s32 @p1 $0x1  }
0x15: {  	[smem:$0x3FB5] =	sst s0;
	s0 =	simm.s32 @!p2 $0x0  }
0x16: {  	s3 =	sld [smem:$0x3FDB];
	s0 =	simm.s32 @p2 $0x1  }
0x17: {  	s4 =	simm.s32 $0x1BF5;
	[smem:$0x3FB7] =	sst s0  }
0x18: {  	s0 =	sld [smem:$0x3F9A];
	_ =	swait.ge [sflag:s4], $0x0  }
0x19: {  	s7 =	sld [smem:$0x3F9B]  }
0x1a: {  	s8 =	sadd.s32 $0xFFFFE003, lr  }
0x1b: {  	s9 =	sadd.s32 $0xFFFFFEF7, lr;
	s5 =	simm.s32 $0xFFFFFFFF;
	p2 =	slt.u32 s8, $0xFFFFF086  }
0x1c: {  	p1 =	slt.u32 s9, $0xF7A;
	s5 =	simm.s32 @!p2 $0x0  }
0x1d: {  	s5 =	simm.s32 @p1 $0x1;
	p0 =	seq.s32 s7, s2  }
0x1e: {  	s7 =	smul.u32 @!p0 $0xF7A, s2;
	p2 =	seq.s32 @!p0 s5, $0x0  }
0x1f: {  	s9 =	smul.u32 $0xF7A, s1;
	s8 =	simm.s32 @!p0 $0x1BF5;
	p2 =	por !p2, p0  }
0x20: {  	[sflag:s8] =	ssyncset.s32 @!p0 $0xFFFFF086;
	s6 =	sadd.s32 @!p0 s3, s7;
	s7 =	simm.s32 @!p0 $0x108  }
0x21: {  	s3 =	sadd.s32 s3, s9;
	s6 =	sadd.s32 @!p0 $0x88, s6;
	s7 =	simm.s32 @p2 $0x1082  }
0x22: {  	[simem:s7], [sflag:s8] =	dma.local @!p0 [hbm:s6], $0xF7A  }
0x23: {  	s9 =	sor.u32 $0xD0000000, s2;
	s6 =	simm.s32 $0x108;
	_ =	swait.ge @!p0 [sflag:s8], $0x0  }
0x24: {  	s3 =	sadd.s32 $0x88, s3;
	s6 =	simm.s32 @!p1 $0x1082;
	[sflag:s4] =	ssyncset.s32 $0xFFFFF086  }
0x25: {  	[simem:s6], [sflag:s4] =	dma.local [hbm:s3], $0xF7A  }
0x26: {  	[smem:$0x3F9B] =	sst s1;
	(tag) =	ssettag s2;
	_ =	strace s9  }
0x27: {  	s1 =	sld [smem:$0x3FAB]  }
0x28: {  	s2 =	sld [smem:$0x3FAC]  }
0x29: {  	s4 =	sld [smem:$0x3FAE]  }
0x2a: {  	p0 =	seq.s32 s5, $0x0;
	s5 =	sld [smem:$0x3FAF]  }
0x2b: {  	s6 =	sld [smem:$0x3FB0]  }
0x2c: {  	s7 =	sld [smem:$0x3FB1]  }
0x2d: {  	s3 =	simm.s32 $0x108;
	s8 =	sld [smem:$0x3FB2]  }
0x2e: {  	s3 =	simm.s32 @!p0 $0x1082;
	s9 =	sld [smem:$0x3FB3]  }
0x2f: {  	lr =	sadd.s32 s0, s3;
	s0 =	sld [smem:$0x3FAA]  }
0x30: {  	s3 =	sld [smem:$0x3FAD]  }
0x31: {  	[smem:$0x3FB6] =	sst s10  }
0x32: {  	s10 =	sld [smem:$0x3FB4];
	_ =	sdelay $0x3  }
0x33: {  	p0 =	seq.s32 s10, $0x1;
	s10 =	sld [smem:$0x3FB6];
	_ =	sdelay $0x3  }
0x34: {  	[smem:$0x3FB6] =	sst s10  }
0x35: {  	s10 =	sld [smem:$0x3FB5];
	_ =	sdelay $0x3  }
0x36: {  	p1 =	seq.s32 s10, $0x1;
	s10 =	sld [smem:$0x3FB6];
	_ =	sdelay $0x3  }
0x37: {  	[smem:$0x3FB6] =	sst s10  }
0x38: {  	s10 =	sld [smem:$0x3FB7]  }
0x39: {  	_ = 	snop;
	(pc) =	sbr.ind lr, $3  }
0x3a: {  	_ = 	snop  }
0x3b: {  	_ = 	snop  }
0x3c: {  	p2 =	seq.s32 s10, $0x1;
	s10 =	sld [smem:$0x3FB6]  }
0x3d: {  	_ =	shalt  }
0x3e: {  	_ =	shalt  }
0x3f: {  	_ =	shalt  }
0x40: {  	_ =	shalt  }
0x41: {  	_ =	shalt  }
0x42: {  	_ =	shalt  }
0x43: {  	_ =	shalt  }
0x44: {  	_ =	shalt  }
0x45: {  	_ =	shalt  }
0x46: {  	_ =	shalt  }
0x47: {  	_ =	shalt  }
0x48: {  	_ =	shalt  }
0x49: {  	_ =	shalt  }
0x4a: {  	_ =	shalt  }
0x4b: {  	_ =	shalt  }
0x4c: {  	_ =	shalt  }
0x4d: {  	_ =	shalt  }
0x4e: {  	_ =	shalt  }
0x4f: {  	_ =	shalt  }
0x50: {  	_ =	shalt  }
0x51: {  	_ =	shalt  }
0x52: {  	_ =	shalt  }
0x53: {  	_ =	shalt  }
0x54: {  	_ =	shalt  }
0x55: {  	_ =	shalt  }
0x56: {  	_ =	shalt  }
0x57: {  	_ =	shalt  }
0x58: {  	_ =	shalt  }
0x59: {  	_ =	shalt  }
0x5a: {  	_ =	shalt  }
0x5b: {  	_ =	shalt  }
0x5c: {  	_ =	shalt  }
0x5d: {  	_ =	shalt  }
0x5e: {  	_ =	shalt  }
0x5f: {  	_ =	shalt  }
0x60: {  	_ =	shalt  }
0x61: {  	_ =	shalt  }
0x62: {  	_ =	shalt  }
0x63: {  	_ =	shalt  }
0x64: {  	_ =	shalt  }
0x65: {  	_ =	shalt  }
0x66: {  	_ =	shalt  }
0x67: {  	_ =	shalt  }
0x68: {  	_ =	shalt  }
0x69: {  	_ =	shalt  }
0x6a: {  	_ =	shalt  }
0x6b: {  	_ =	shalt  }
0x6c: {  	_ =	shalt  }
0x6d: {  	_ =	shalt  }
0x6e: {  	_ =	shalt  }
0x6f: {  	_ =	shalt  }
0x70: {  	_ =	shalt  }
0x71: {  	_ =	shalt  }
0x72: {  	_ =	shalt  }
0x73: {  	_ =	shalt  }
0x74: {  	_ =	shalt  }
0x75: {  	_ =	shalt  }
0x76: {  	_ =	shalt  }
0x77: {  	_ =	shalt  }
0x78: {  	_ =	shalt  }
0x79: {  	_ =	shalt  }
0x7a: {  	_ =	shalt  }
0x7b: {  	_ =	shalt  }
0x7c: {  	_ =	shalt  }
0x7d: {  	_ =	shalt  }
0x7e: {  	_ =	shalt  }
0x7f: {  	_ =	shalt  }
0x80: {  	_ =	shalt  }
0x81: {  	_ =	shalt  }
0x82: {  	_ =	shalt  }
0x83: {  	_ =	shalt  }
0x84: {  	_ =	shalt  }
0x85: {  	_ =	shalt  }
0x86: {  	_ =	shalt  }
0x87: {  	_ =	shalt  }
.Lfunc_end0:
.L_simem_size_0:
called_computation_lowered:
.L_overlay_start_0:
0x88: {  	s2 =	sld [smem:$0x3FD9]  }
0x89: {  	s3 =	sld [smem:$0x3FFE];
	_ =	sdelay $0x1  }
0x8a: {  	s1 =	srdreg.scid  }
0x8b: {  	s0 =	sand.u32 $0x1, s1  }
0x8c: {  	s17 =	sshll.u32 s0, $0xA;
	s2 =	sadd.s32 s3, s2  }
0x8d: {  	s2 =	sadd.s32 s2, s17  }
0x8e: {  	[smem:$0x3FC2] =	sst s2  }
0x8f: {  	_ = 	snop  }
0x90: {  	s2 =	sld [smem:$0x3FC9]  }
0x91: {  	s18 =	sld [smem:$0x3FD0];
	(tm) =	ssettm $0x1  }
0x92: {  	s4 =	sld [smem:$0x3FFB];
	_ =	sdelay $0x3  }
0x93: {  	_ =	strace s4  }
0x94: {  	s4 =	sld [smem:$0x3FFC];
	_ =	sdelay $0x3  }
0x95: {  	_ =	strace s4  }
0x96: {  	s4 =	sld [smem:$0x3FFD];
	_ =	sdelay $0x3  }
0x97: {  	_ =	strace s4  }
0x98: {  	_ =	strace $0x8FFFFFFF  }
0x99: {  	s19 =	sld [smem:$0x3FDB];
	_ =	sdelay $0x1  }
0x9a: {  	s5 =	simm.s32 $_scs_section_size  }
0x9b: {  	s6 =	simm.s32 $_size__tile_overlayer_lowered;
	s7 =	simm.s32 $_tile_overlayer_lowered  }
0x9c: {  	s22 =	simm.s32 $0x1BFF;
	s21 =	sshll.u32 s7, $0x1;
	s4 =	sadd.s32 s5, s19  }
0x9d: {  	s8 =	simm.s32 $0x0;
	s20 =	sshll.u32 s6, $0x1;
	s6 =	sadd.s32 s21, s4  }
0x9e: {  	[timem:s8], [sflag:s22] =	dma.local [hbm:s6], s20  }
0x9f: {  	_ =	swait.ge [sflag:s22], s20  }
0xa0: {  	s5 =	ssub.s32 $0x0, s20;
	[sflag:s22] =	ssyncset.done $0x0  }
0xa1: {  	[sflag:s22] =	ssyncadd.s32 s5;
	_ =	sdelay $0x1  }
0xa2: {  	s23 =	simm.s32 $0x1B8B  }
0xa3: {  	_ =	swait.ge [sflag:s23], $0x1  }
0xa4: {  	[sflag:s23] =	ssyncset.done $0x0  }
0xa5: {  	s25 =	simm.s32 $0x1B8E;
	s24 =	sld [smem:$0x3FFE];
	[sflag:s23] =	ssyncadd.s32 $0xFFFFFFFF  }
0xa6: {  	s26 =	simm.s32 $execute0_lowered;
	[smem:$0x3FD2] =	sst s25  }
0xa7: {  	s6 =	sshll.u32 s26, $0x1;
	_ =	strace $0x80000046;
	[dreg:$0x1] =	wrdreg $0xFFFFFFFF  }
0xa8: {  	s28 =	simm.s32 $_size_execute0_lowered;
	s4 =	sadd.s32 s4, s6;
	[dreg:$0x0] =	wrdreg $0x0  }
0xa9: {  	s6 =	sshll.u32 s28, $0x1;
	[dreg:$0x2] =	wrdreg s4  }
0xaa: {  	[dreg:$0x3] =	wrdreg s6  }
0xab: {  	[dreg:$0x4] =	wrdreg $0xC0  }
0xac: {  	_ =	task [dreg:s8], $0x5FFFF  }
0xad: {  	[dreg:$0x1] =	wrdreg $0xFFFFFFFF  }
0xae: {  	[dreg:$0x0] =	wrdreg $0x60  }
0xaf: {  	[dreg:$0x2] =	wrdreg s2  }
0xb0: {  	[dreg:$0x3] =	wrdreg s24  }
0xb1: {  	[dreg:$0x4] =	wrdreg s18  }
0xb2: {  	[dreg:$0x5] =	wrdreg $0x9  }
0xb3: {  	_ =	task.clear_ibuf [dreg:s8], $0x6FFFF;
	_ =	strace $0x90000046  }
0xb4: {  	s29 =	simm.s32 $0x9;
	_ =	strace $0x80000048  }
0xb5: {  	_ =	swait.ge [sflag:s29], $0x1  }
0xb6: {  	[sflag:s29] =	ssyncadd.s32 $0xFFFFFFFF  }
0xb7: {  	_ =	strace $0x90000048  }
0xb8: {  	_ =	sfence  }
0xb9: {  	s30 =	sld [smem:$0x0];
	_ =	sdelay $0x2  }
0xba: {  	s31 =	sshll.u32 s1, $0xD;
	s1 =	sshrl.u32 s1, $0x2  }
0xbb: {  	s3 =	sand.u32 $0x4000, s31;
	s1 =	sadd.s32 s1, s30  }
0xbc: {  	s0 =	sor.u32 s3, s0;
	s1 =	sshll.u32 s1, $0x11  }
0xbd: {  	s0 =	sor.u32 s1, s0  }
0xbe: {  	s0 =	sadd.s32 $0x8F2B, s0  }
0xbf: {  	[sflag:s0] =	ssyncadd.remote.s32 $0x1  }
0xc0: {  	_ =	sfence.sel $0xFFFF  }
0xc1: {  	[dreg:$0x0] =	wrdreg $0xFFFFFFFF;
	(pc) =	sbr.abs _section_cstart, $3  }
0xc2: {  	[dreg:$0x1] =	wrdreg $0xFFFFFFFF  }
0xc3: {  	_ =	task.clear_ibuf [dreg:s8], $0x2FFFF;
	_ =	strace $0x9FFFFFFF  }
0xc4: {  	(tm) =	ssettm $0x7FFFFFFF  }
0xc5: {  	_ =	shalt  }
tec
execute0_lowered:
.L_overlay_start_1:
0x0: {  	(tag) =	ssettag $0x1  }
0x1: {  	s1 =	rddreg [dreg:$0x0]  }
0x2: {  	s0 =	rddreg [dreg:$0x1]  }
0x3: {  	s4 =	rddreg [dreg:$0x2]  }
0x4: {  	s3 =	srdreg.scid;
	s2 =	stileid.u32  }
0x5: {  	s15 =	simm.s32 $0x4A80;
	s5 =	sand.u32 $0x1, s3;
	s3 =	simm.s32 $0x0  }
0x6: {  	s6 =	sshll.u32 s2, $0x7;
	s9 =	sadd.s32 $0x1600, s0;
	[smem:$0x7FF] =	sst s3  }
0x7: {  	s2 =	simm.s32 $0x2080;
	_ =	strace $0x80000047;
	[dreg:$0x4] =	wrdreg s9  }
0x8: {  	s16 =	simm.s32 $0x5A80;
	s18 =	simm.s32 $0x6280;
	[dreg:$0xd] =	wrdreg s2  }
0x9: {  	s19 =	simm.s32 $0x6A80;
	s20 =	simm.s32 $0x7280;
	[dreg:$0x15] =	wrdreg s15  }
0xa: {  	s21 =	simm.s32 $0x7A80;
	s28 =	simm.s32 $0x8;
	[dreg:$0x16] =	wrdreg s16  }
0xb: {  	s29 =	simm.s32 $0x9;
	s30 =	simm.s32 $0xA;
	[dreg:$0x17] =	wrdreg s18  }
0xc: {  	s31 =	simm.s32 $0xB;
	s8 =	sadd.s32 $0x1400, s0;
	[dreg:$0x18] =	wrdreg s19  }
0xd: {  	s7 =	sshll.u32 s5, $0x6;
	s14 =	ssub.s32 $0x2, s5;
	[dreg:$0x19] =	wrdreg s20  }
0xe: {  	s6 =	sor.u32 s7, s6;
	s5 =	sshrl.u32 s14, $0x1;
	[dreg:$0x1a] =	wrdreg s21  }
0xf: {  	s15 =	simm.s32 $0xB280;
	s19 =	simm.s32 $0xD280;
	s20 =	simm.s32 $0xDA80  }
0x10: {  	s21 =	simm.s32 $0xD;
	s7 =	sshrl.u32 s6, $0x3;
	s6 =	sshll.u32 s6, $0x4  }
0x11: {  	s10 =	sor.u32 $0x2, s7;
	s0 =	sadd.s32 s6, s0;
	s6 =	simm.s32 $0x2180  }
0x12: {  	s23 =	sor.u32 $0x4, s7;
	s22 =	sadd.s32 s8, s10;
	[dreg:$0xf] =	wrdreg s6  }
0x13: {  	s12 =	sor.u32 $0x6, s7;
	s11 =	sadd.s32 s8, s23;
	[dreg:$0x5] =	wrdreg s22  }
0x14: {  	s17 =	ssub.s32 s14, s5;
	s24 =	sadd.s32 s8, s12;
	[dreg:$0x6] =	wrdreg s11  }
0x15: {  	s13 =	smul.u32 $0x300, s7;
	s0 =	sadd.s32 $0x9600, s0;
	[dreg:$0x7] =	wrdreg s24  }
0x16: {  	s26 =	smul.u32 $0x300, s12;
	s12 =	simm.s32 $0x3A80;
	[dreg:$0xc] =	wrdreg s0  }
0x17: {  	s9 =	smul.u32 $0x300, s23;
	s23 =	simm.s32 $0x9280;
	[dreg:$0x13] =	wrdreg s12  }
0x18: {  	s5 =	sadd.s32 $0x100, s1;
	s25 =	sadd.s32 s4, s13;
	[dreg:$0x1c] =	wrdreg s23  }
0x19: {  	s14 =	simm.s32 $0x4;
	s11 =	simm.s32 $0x3280;
	[dreg:$0x8] =	wrdreg s25  }
0x1a: {  	s10 =	smul.u32 $0x300, s10;
	s13 =	simm.s32 $0x4280;
	[dreg:$0x12] =	wrdreg s11  }
0x1b: {  	s6 =	sadd.s32 $0x200, s1;
	s22 =	simm.s32 $0x8A80;
	[dreg:$0x14] =	wrdreg s13  }
0x1c: {  	s24 =	simm.s32 $0x9A80;
	s12 =	simm.s32 $0x3;
	[dreg:$0x1b] =	wrdreg s22  }
0x1d: {  	s23 =	simm.s32 $0x80;
	s10 =	sadd.s32 s4, s10;
	[dreg:$0x1d] =	wrdreg s24  }
0x1e: {  	s0 =	simm.s32 $0xC;
	s9 =	sadd.s32 s4, s9;
	[dreg:$0x9] =	wrdreg s10  }
0x1f: {  	s4 =	sadd.s32 s4, s26;
	s25 =	simm.s32 $0xA280;
	[dreg:$0xa] =	wrdreg s9  }
0x20: {  	s11 =	simm.s32 $0x5280;
	s26 =	simm.s32 $0xAA80;
	[dreg:$0xb] =	wrdreg s4  }
0x21: {  	s13 =	simm.s32 $0x8280;
	s22 =	simm.s32 $0x40;
	[dreg:$0x1e] =	wrdreg s25  }
0x22: {  	s24 =	simm.s32 $0x5;
	s4 =	simm.s32 $0x2100;
	[dreg:$0x1f] =	wrdreg s26  }
0x23: {  	s9 =	simm.s32 $0x2200;
	s10 =	simm.s32 $0x2A80;
	[dreg:$0xe] =	wrdreg s4  }
0x24: {  	v2 =	vlaneseq.u32;
	s25 =	simm.s32 $0x6;
	s26 =	simm.s32 $0x7;
	[dreg:$0x10] =	wrdreg s9  }
0x25: {  	vm0 =	vmmov $0xffff;
	v1 =	vshrl.u32 v2, $0x3;
	[dreg:$0x11] =	wrdreg s10;
	s4 =	sadd.s32 s8, s7;
	s7 =	smax.u32 s17, $0x1  }
0x26: {  	v0 =	vand.u32 $0x7, v2;
	v2 =	vor.u32 $0x8, v2;
	v1 =	vmul.u32 $0x8, v1;
	s8 =	simm.s32 $0x1;
	s9 =	simm.s32 $0x2280;
	s10 =	simm.s32 $0x2  }
.LBB2_1:
0x27: {  	s2 =	rddreg [dreg:$0xd]  }
0x28: {  	s16 =	rddreg [dreg:$0x5]  }
0x29: {  	s17 =	rddreg [dreg:$0xe]  }
0x2a: {  	s18 =	rddreg [dreg:$0x10]  }
0x2b: {  	[tilespmem:s2], [sflag:$0x1] =	stream.linear.gather [hbm4b:s4+s3], $0x10, $0x38;
	[tilespmem:$0xE280] =	vst v63  }
0x2c: {  	s2 =	rddreg [dreg:$0x6]  }
0x2d: {  	[tilespmem:s17], [sflag:$0x2] =	stream.linear.gather [hbm4b:s16+s3], $0x10, $0x38;
	[tilespmem:$0xE280] =	vst v63  }
0x2e: {  	s16 =	rddreg [dreg:$0xf]  }
0x2f: {  	[tilespmem:s16], [sflag:$0x3] =	stream.linear.gather [hbm4b:s2+s3], $0x10, $0x38;
	[tilespmem:$0xE280] =	vst v63  }
0x30: {  	s17 =	rddreg [dreg:$0x7]  }
0x31: {  	[tilespmem:s18], [sflag:$0x4] =	stream.linear.gather [hbm4b:s17+s3], $0x10, $0x38;
	[tilespmem:$0xE280] =	vst v63  }
0x32: {  	_ = 	snop  }
0x33: {  	[tilespmem:s3], [sflag:$0xD] =	stream.linear.gather [hbm4b:s4+s3], $0x40, $0x38;
	[tilespmem:$0xE280] =	vst v63  }
0x34: {  	_ =	swait.ge [sflag:s8], $0x10  }
0x35: {  	[sflag:s8] =	ssyncset.done $0x0  }
0x36: {  	[sflag:s8] =	ssyncadd.s32 $0xFFFFFFF0  }
0x37: {  	v3 =	vld [tilespmem:$0x2080];
	_ =	sdelay $0x4  }
0x38: {  	v4 =	vshrl.u32 v3, $0x3  }
0x39: {  	v4 =	vmul.u32 $0x30, v4  }
0x3a: {  	v3 =	vand.u32 $0x7, v3  }
0x3b: {  	v3 =	vor.u32 v3, v4  }
0x3c: {  	v4 =	vperm.xlane v3, v0;
	_ =	sdelay $0x1  }
0x3d: {  	v4 =	vadd.s32 v1, v4;
	_ =	sdelay $0x3  }
0x3e: {  	v3 =	vperm.xlane v3, v2  }
0x3f: {  	[tilespmem:s9], [sflag:$0x5] =	stream.indirect_vreg.gather [hbm4b:s1+s3], $0x80, v4, vm0, $0xb8;
	[tilespmem:$0xE280] =	vst v63  }
0x40: {  	s16 =	rddreg [dreg:$0x11];
	v3 =	vadd.s32 v1, v3  }
0x41: {  	[tilespmem:s16], [sflag:$0x5] =	stream.indirect_vreg.gather [hbm4b:s5+s3], $0x80, v4, vm0, $0xb8;
	[tilespmem:$0xE280] =	vst v63  }
0x42: {  	s17 =	rddreg [dreg:$0x12]  }
0x43: {  	[tilespmem:s17], [sflag:$0x5] =	stream.indirect_vreg.gather [hbm4b:s6+s3], $0x80, v4, vm0, $0xb8;
	[tilespmem:$0xE280] =	vst v63  }
0x44: {  	s18 =	rddreg [dreg:$0x13]  }
0x45: {  	[tilespmem:s18], [sflag:$0x5] =	stream.indirect_vreg.gather [hbm4b:s1+s3], $0x80, v3, vm0, $0xb8;
	[tilespmem:$0xE280] =	vst v63  }
0x46: {  	s17 =	rddreg [dreg:$0x14]  }
0x47: {  	[tilespmem:s17], [sflag:$0x5] =	stream.indirect_vreg.gather [hbm4b:s5+s3], $0x80, v3, vm0, $0xb8;
	[tilespmem:$0xE280] =	vst v63  }
0x48: {  	s18 =	rddreg [dreg:$0x15]  }
0x49: {  	[tilespmem:s18], [sflag:$0x5] =	stream.indirect_vreg.gather [hbm4b:s6+s3], $0x80, v3, vm0, $0xb8;
	[tilespmem:$0xE280] =	vst v63  }
0x4a: {  	_ =	swait.ge [sflag:s10], $0x10  }
0x4b: {  	[sflag:s10] =	ssyncset.done $0x0  }
0x4c: {  	[sflag:s10] =	ssyncadd.s32 $0xFFFFFFF0  }
0x4d: {  	v3 =	vld [tilespmem:$0x2100];
	_ =	sdelay $0x4  }
0x4e: {  	v61 =	vshrl.u32 v3, $0x3  }
0x4f: {  	v4 =	vmul.u32 $0x30, v61  }
0x50: {  	v3 =	vand.u32 $0x7, v3  }
0x51: {  	v3 =	vor.u32 v3, v4  }
0x52: {  	v4 =	vperm.xlane v3, v0;
	_ =	sdelay $0x1  }
0x53: {  	v4 =	vadd.s32 v1, v4;
	_ =	sdelay $0x3  }
0x54: {  	v3 =	vperm.xlane v3, v2  }
0x55: {  	[tilespmem:s11], [sflag:$0x6] =	stream.indirect_vreg.gather [hbm4b:s1+s3], $0x80, v4, vm0, $0xb8;
	[tilespmem:$0xE280] =	vst v63  }
0x56: {  	s16 =	rddreg [dreg:$0x16];
	v3 =	vadd.s32 v1, v3  }
0x57: {  	[tilespmem:s16], [sflag:$0x6] =	stream.indirect_vreg.gather [hbm4b:s5+s3], $0x80, v4, vm0, $0xb8;
	[tilespmem:$0xE280] =	vst v63  }
0x58: {  	s17 =	rddreg [dreg:$0x17]  }
0x59: {  	[tilespmem:s17], [sflag:$0x6] =	stream.indirect_vreg.gather [hbm4b:s6+s3], $0x80, v4, vm0, $0xb8;
	[tilespmem:$0xE280] =	vst v63  }
0x5a: {  	s18 =	rddreg [dreg:$0x18]  }
0x5b: {  	[tilespmem:s18], [sflag:$0x6] =	stream.indirect_vreg.gather [hbm4b:s1+s3], $0x80, v3, vm0, $0xb8;
	[tilespmem:$0xE280] =	vst v63  }
0x5c: {  	s17 =	rddreg [dreg:$0x19]  }
0x5d: {  	[tilespmem:s17], [sflag:$0x6] =	stream.indirect_vreg.gather [hbm4b:s5+s3], $0x80, v3, vm0, $0xb8;
	[tilespmem:$0xE280] =	vst v63  }
0x5e: {  	s18 =	rddreg [dreg:$0x1a]  }
0x5f: {  	[tilespmem:s18], [sflag:$0x6] =	stream.indirect_vreg.gather [hbm4b:s6+s3], $0x80, v3, vm0, $0xb8;
	[tilespmem:$0xE280] =	vst v63  }
0x60: {  	_ =	swait.ge [sflag:s12], $0x10  }
0x61: {  	[sflag:s12] =	ssyncset.done $0x0  }
0x62: {  	[sflag:s12] =	ssyncadd.s32 $0xFFFFFFF0  }
0x63: {  	v3 =	vld [tilespmem:$0x2180];
	_ =	sdelay $0x4  }
0x64: {  	v62 =	vshrl.u32 v3, $0x3  }
0x65: {  	v4 =	vmul.u32 $0x30, v62  }
0x66: {  	v3 =	vand.u32 $0x7, v3  }
0x67: {  	v3 =	vor.u32 v3, v4  }
0x68: {  	v4 =	vperm.xlane v3, v0;
	_ =	sdelay $0x1  }
0x69: {  	v4 =	vadd.s32 v1, v4;
	_ =	sdelay $0x3  }
0x6a: {  	v3 =	vperm.xlane v3, v2  }
0x6b: {  	[tilespmem:s13], [sflag:$0x7] =	stream.indirect_vreg.gather [hbm4b:s1+s3], $0x80, v4, vm0, $0xb8;
	[tilespmem:$0xE280] =	vst v63  }
0x6c: {  	s16 =	rddreg [dreg:$0x1b];
	v3 =	vadd.s32 v1, v3  }
0x6d: {  	[tilespmem:s16], [sflag:$0x7] =	stream.indirect_vreg.gather [hbm4b:s5+s3], $0x80, v4, vm0, $0xb8;
	[tilespmem:$0xE280] =	vst v63  }
0x6e: {  	s17 =	rddreg [dreg:$0x1c]  }
0x6f: {  	[tilespmem:s17], [sflag:$0x7] =	stream.indirect_vreg.gather [hbm4b:s6+s3], $0x80, v4, vm0, $0xb8;
	[tilespmem:$0xE280] =	vst v63  }
0x70: {  	s18 =	rddreg [dreg:$0x1d]  }
0x71: {  	[tilespmem:s18], [sflag:$0x7] =	stream.indirect_vreg.gather [hbm4b:s1+s3], $0x80, v3, vm0, $0xb8;
	[tilespmem:$0xE280] =	vst v63  }
0x72: {  	s17 =	rddreg [dreg:$0x1e]  }
0x73: {  	[tilespmem:s17], [sflag:$0x7] =	stream.indirect_vreg.gather [hbm4b:s5+s3], $0x80, v3, vm0, $0xb8;
	[tilespmem:$0xE280] =	vst v63  }
0x74: {  	s18 =	rddreg [dreg:$0x1f]  }
0x75: {  	[tilespmem:s18], [sflag:$0x7] =	stream.indirect_vreg.gather [hbm4b:s6+s3], $0x80, v3, vm0, $0xb8;
	[tilespmem:$0xE280] =	vst v63  }
0x76: {  	_ =	swait.ge [sflag:s14], $0x10  }
0x77: {  	[sflag:s14] =	ssyncset.done $0x0  }
0x78: {  	[sflag:s14] =	ssyncadd.s32 $0xFFFFFFF0  }
0x79: {  	v3 =	vld [tilespmem:$0x2200];
	_ =	sdelay $0x4  }
0x7a: {  	v63 =	vshrl.u32 v3, $0x3  }
0x7b: {  	v4 =	vmul.u32 $0x30, v63  }
0x7c: {  	v3 =	vand.u32 $0x7, v3  }
0x7d: {  	v3 =	vor.u32 v3, v4  }
0x7e: {  	v4 =	vperm.xlane v3, v0;
	_ =	sdelay $0x1  }
0x7f: {  	v4 =	vadd.s32 v1, v4;
	_ =	sdelay $0x3  }
0x80: {  	v3 =	vperm.xlane v3, v2  }
0x81: {  	[tilespmem:s15], [sflag:$0x8] =	stream.indirect_vreg.gather [hbm4b:s1+s3], $0x80, v4, vm0, $0xb8;
	[tilespmem:$0xE280] =	vst v63  }
0x82: {  	s16 =	simm.s32 $0xBA80;
	v3 =	vadd.s32 v1, v3  }
0x83: {  	[tilespmem:s16], [sflag:$0x8] =	stream.indirect_vreg.gather [hbm4b:s5+s3], $0x80, v4, vm0, $0xb8;
	[tilespmem:$0xE280] =	vst v63  }
0x84: {  	s17 =	simm.s32 $0xC280  }
0x85: {  	[tilespmem:s17], [sflag:$0x8] =	stream.indirect_vreg.gather [hbm4b:s6+s3], $0x80, v4, vm0, $0xb8;
	[tilespmem:$0xE280] =	vst v63  }
0x86: {  	s18 =	simm.s32 $0xCA80  }
0x87: {  	[tilespmem:s18], [sflag:$0x8] =	stream.indirect_vreg.gather [hbm4b:s1+s3], $0x80, v3, vm0, $0xb8;
	[tilespmem:$0xE280] =	vst v63  }
0x88: {  	_ = 	snop  }
0x89: {  	[tilespmem:s19], [sflag:$0x8] =	stream.indirect_vreg.gather [hbm4b:s5+s3], $0x80, v3, vm0, $0xb8;
	[tilespmem:$0xE280] =	vst v63  }
0x8a: {  	_ = 	snop  }
0x8b: {  	[tilespmem:s20], [sflag:$0x8] =	stream.indirect_vreg.gather [hbm4b:s6+s3], $0x80, v3, vm0, $0xb8;
	[tilespmem:$0xE280] =	vst v63  }
0x8c: {  	_ =	swait.ge [sflag:s21], $0x40  }
0x8d: {  	[sflag:s21] =	ssyncset.done $0x0  }
0x8e: {  	s16 =	rddreg [dreg:$0x4];
	[sflag:s21] =	ssyncadd.s32 $0xFFFFFFC0  }
0x8f: {  	[tilespmem:s23], [sflag:$0xD] =	stream.indirect.gather [hbm4b:s16+s22], $0x80, s3, s22, $0xb8;
	[tilespmem:$0xE280] =	vst v63  }
0x90: {  	_ =	swait.ge [sflag:s24], $0x3000  }
0x91: {  	[sflag:s24] =	ssyncset.done $0x0  }
0x92: {  	s17 =	rddreg [dreg:$0x8];
	[sflag:s24] =	ssyncadd.s32 $0xFFFFD000  }
0x93: {  	[hbm4b:s17+s3] =	stream.linear.scatter [tilespmem:s9], [sflag:$0x9], $0x3000, $0x38;
	[tilespmem:$0xE280] =	vst v63  }
0x94: {  	_ =	swait.ge [sflag:s25], $0x3000  }
0x95: {  	[sflag:s25] =	ssyncset.done $0x0  }
0x96: {  	s18 =	rddreg [dreg:$0x9];
	[sflag:s25] =	ssyncadd.s32 $0xFFFFD000  }
0x97: {  	[hbm4b:s18+s3] =	stream.linear.scatter [tilespmem:s11], [sflag:$0xA], $0x3000, $0x38;
	[tilespmem:$0xE280] =	vst v63  }
0x98: {  	_ =	swait.ge [sflag:s26], $0x3000  }
0x99: {  	[sflag:s26] =	ssyncset.done $0x0  }
0x9a: {  	s16 =	rddreg [dreg:$0xa];
	[sflag:s26] =	ssyncadd.s32 $0xFFFFD000  }
0x9b: {  	[hbm4b:s16+s3] =	stream.linear.scatter [tilespmem:s13], [sflag:$0xB], $0x3000, $0x38;
	[tilespmem:$0xE280] =	vst v63  }
0x9c: {  	_ =	swait.ge [sflag:s28], $0x3000  }
0x9d: {  	[sflag:s28] =	ssyncset.done $0x0  }
0x9e: {  	s17 =	rddreg [dreg:$0xb];
	[sflag:s28] =	ssyncadd.s32 $0xFFFFD000  }
0x9f: {  	[hbm4b:s17+s3] =	stream.linear.scatter [tilespmem:s15], [sflag:$0xC], $0x3000, $0x38;
	[tilespmem:$0xE280] =	vst v63  }
0xa0: {  	_ =	swait.ge [sflag:s21], $0x2000  }
0xa1: {  	[sflag:s21] =	ssyncset.done $0x0  }
0xa2: {  	s18 =	rddreg [dreg:$0xc];
	[sflag:s21] =	ssyncadd.s32 $0xFFFFE000  }
0xa3: {  	[hbm4b:s18+s3] =	stream.linear.scatter [tilespmem:s23], [sflag:$0xD], $0x2000, $0x38;
	[tilespmem:$0xE280] =	vst v63  }
0xa4: {  	_ =	swait.ge [sflag:s29], $0x3000  }
0xa5: {  	[sflag:s29] =	ssyncset.done $0x0  }
0xa6: {  	[sflag:s29] =	ssyncadd.s32 $0xFFFFD000  }
0xa7: {  	_ =	swait.ge [sflag:s30], $0x3000  }
0xa8: {  	[sflag:s30] =	ssyncset.done $0x0  }
0xa9: {  	[sflag:s30] =	ssyncadd.s32 $0xFFFFD000  }
0xaa: {  	_ =	swait.ge [sflag:s31], $0x3000  }
0xab: {  	[sflag:s31] =	ssyncset.done $0x0  }
0xac: {  	[sflag:s31] =	ssyncadd.s32 $0xFFFFD000  }
0xad: {  	p0 =	sne.s32 s7, $0x1;
	_ =	swait.ge [sflag:s0], $0x3000  }
.Ltmp0:
0xae: {  	[sflag:s0] =	ssyncset.done $0x0;
	(pc) =	sbr.rel @p0 .LBB2_1-.Ltmp0, $4  }
0xaf: {  	[sflag:s0] =	ssyncadd.s32 $0xFFFFD000  }
0xb0: {  	_ =	swait.ge [sflag:s21], $0x2000  }
0xb1: {  	[sflag:s21] =	ssyncset.done $0x0  }
0xb2: {  	s7 =	sadd.s32 $0xFFFFFFFF, s7;
	[sflag:s21] =	ssyncadd.s32 $0xFFFFE000  }
0xb3: {  	_ =	sfence.sel $0x180000  }
0xb4: {  	[bflag:$0x0] =	sbarrier.arrive $0xFFFF  }
0xb5: {  	_ =	strace $0x90000047  }
0xb6: {  	s0 =	stileid.u32;
	[bflag:$0x2] =	sbarrier.arrive $0xFFFF  }
0xb7: {  	p0 =	sne.s32 s0, $0x0;
	s0 =	rddreg [dreg:$0x3]  }
0xb8: {  	s0 =	sadd.s32 @!p0 $0x100000, s0  }
0xb9: {  	[sflag:s0] =	ssyncadd.tile.s32 @!p0 $0x1;
	_ =	shalt  }
.Lfunc_end2:
_tile_overlayer_lowered:
.L_overlay_start_2:
0xba: {  	(tag) =	ssettag $0x2  }
0xbb: {  	s0 =	rddreg [dreg:$0x0];
	s2 =	stileid.u32  }
0xbc: {  	s1 =	rddreg [dreg:$0x1];
	p0 =	sne.s32 s2, $0x0  }
0xbd: {  	s3 =	rddreg [dreg:$0x2];
	[bflag:$0x3] =	sbarrier.arrive $0xFFFF;
	s2 =	simm.s32 @!p0 $0x1C0E  }
0xbe: {  	[timem:s3], [sflag:s2] =	dma.local @!p0 [hbm:s0], s1  }
0xbf: {  	s0 =	simm.s32 @!p0 $0xE  }
0xc0: {  	_ =	swait.ge @!p0 [sflag:s0], s1  }
0xc1: {  	s1 =	ssub.s32 @!p0 $0x0, s1;
	[sflag:s0] =	ssyncset.done @!p0 $0x0  }
0xc2: {  	[sflag:s0] =	ssyncadd.s32 @!p0 s1  }
0xc3: {  	[bflag:$0x3] =	sbarrier.arrive $0xFFFF  }
0xc4: {  	_ =	shalt  }

// kernel: kernel.8.cloned.1.call-start
scs
__scs_entry_jumppad:
0x0: {  	(pc) =	sbr.rel $0x88, $3  }
0x1: {  	(tag) =	ssettag $0x0;
	lr =	simm.s32 $0x1  }
0x2: {  	[smem:$0x3F9B] =	sst lr;
	_ =	strace $0xD0000000  }
0x3: {  	_ = 	snop  }
0x4: {  	_ = 	snop  }
0x5: {  	_ = 	snop  }
0x6: {  	_ = 	snop  }
0x7: {  	_ = 	snop  }
__scs_overlays_trampoline_lowered:
0x8: {  	[smem:$0x3FAA] =	sst s0  }
0x9: {  	[smem:$0x3FAB] =	sst s1  }
0xa: {  	[smem:$0x3FAC] =	sst s2  }
0xb: {  	[smem:$0x3FAD] =	sst s3  }
0xc: {  	[smem:$0x3FAE] =	sst s4  }
0xd: {  	[smem:$0x3FAF] =	sst s5  }
0xe: {  	[smem:$0x3FB0] =	sst s6  }
0xf: {  	[smem:$0x3FB1] =	sst s7  }
0x10: {  	[smem:$0x3FB2] =	sst s8  }
0x11: {  	[smem:$0x3FB3] =	sst s9;
	s0 =	simm.s32 @!p0 $0x0  }
0x12: {  	s1 =	sld [smem:$0x3F99];
	s0 =	simm.s32 @p0 $0x1  }
0x13: {  	[smem:$0x3FB4] =	sst s0;
	s0 =	simm.s32 @!p1 $0x0  }
0x14: {  	s2 =	sld [smem:$0x3F98];
	s0 =	simm.s32 @p1 $0x1  }
0x15: {  	[smem:$0x3FB5] =	sst s0;
	s0 =	simm.s32 @!p2 $0x0  }
0x16: {  	s3 =	sld [smem:$0x3FDB];
	s0 =	simm.s32 @p2 $0x1  }
0x17: {  	s4 =	simm.s32 $0x1BF5;
	[smem:$0x3FB7] =	sst s0  }
0x18: {  	s0 =	sld [smem:$0x3F9A];
	_ =	swait.ge [sflag:s4], $0x0  }
0x19: {  	s7 =	sld [smem:$0x3F9B]  }
0x1a: {  	s8 =	sadd.s32 $0xFFFFE003, lr  }
0x1b: {  	s9 =	sadd.s32 $0xFFFFFEF7, lr;
	s5 =	simm.s32 $0xFFFFFFFF;
	p2 =	slt.u32 s8, $0xFFFFF086  }
0x1c: {  	p1 =	slt.u32 s9, $0xF7A;
	s5 =	simm.s32 @!p2 $0x0  }
0x1d: {  	s5 =	simm.s32 @p1 $0x1;
	p0 =	seq.s32 s7, s2  }
0x1e: {  	s7 =	smul.u32 @!p0 $0xF7A, s2;
	p2 =	seq.s32 @!p0 s5, $0x0  }
0x1f: {  	s9 =	smul.u32 $0xF7A, s1;
	s8 =	simm.s32 @!p0 $0x1BF5;
	p2 =	por !p2, p0  }
0x20: {  	[sflag:s8] =	ssyncset.s32 @!p0 $0xFFFFF086;
	s6 =	sadd.s32 @!p0 s3, s7;
	s7 =	simm.s32 @!p0 $0x108  }
0x21: {  	s3 =	sadd.s32 s3, s9;
	s6 =	sadd.s32 @!p0 $0x88, s6;
	s7 =	simm.s32 @p2 $0x1082  }
0x22: {  	[simem:s7], [sflag:s8] =	dma.local @!p0 [hbm:s6], $0xF7A  }
0x23: {  	s9 =	sor.u32 $0xD0000000, s2;
	s6 =	simm.s32 $0x108;
	_ =	swait.ge @!p0 [sflag:s8], $0x0  }
0x24: {  	s3 =	sadd.s32 $0x88, s3;
	s6 =	simm.s32 @!p1 $0x1082;
	[sflag:s4] =	ssyncset.s32 $0xFFFFF086  }
0x25: {  	[simem:s6], [sflag:s4] =	dma.local [hbm:s3], $0xF7A  }
0x26: {  	[smem:$0x3F9B] =	sst s1;
	(tag) =	ssettag s2;
	_ =	strace s9  }
0x27: {  	s1 =	sld [smem:$0x3FAB]  }
0x28: {  	s2 =	sld [smem:$0x3FAC]  }
0x29: {  	s4 =	sld [smem:$0x3FAE]  }
0x2a: {  	p0 =	seq.s32 s5, $0x0;
	s5 =	sld [smem:$0x3FAF]  }
0x2b: {  	s6 =	sld [smem:$0x3FB0]  }
0x2c: {  	s7 =	sld [smem:$0x3FB1]  }
0x2d: {  	s3 =	simm.s32 $0x108;
	s8 =	sld [smem:$0x3FB2]  }
0x2e: {  	s3 =	simm.s32 @!p0 $0x1082;
	s9 =	sld [smem:$0x3FB3]  }
0x2f: {  	lr =	sadd.s32 s0, s3;
	s0 =	sld [smem:$0x3FAA]  }
0x30: {  	s3 =	sld [smem:$0x3FAD]  }
0x31: {  	[smem:$0x3FB6] =	sst s10  }
0x32: {  	s10 =	sld [smem:$0x3FB4];
	_ =	sdelay $0x3  }
0x33: {  	p0 =	seq.s32 s10, $0x1;
	s10 =	sld [smem:$0x3FB6];
	_ =	sdelay $0x3  }
0x34: {  	[smem:$0x3FB6] =	sst s10  }
0x35: {  	s10 =	sld [smem:$0x3FB5];
	_ =	sdelay $0x3  }
0x36: {  	p1 =	seq.s32 s10, $0x1;
	s10 =	sld [smem:$0x3FB6];
	_ =	sdelay $0x3  }
0x37: {  	[smem:$0x3FB6] =	sst s10  }
0x38: {  	s10 =	sld [smem:$0x3FB7]  }
0x39: {  	_ = 	snop;
	(pc) =	sbr.ind lr, $3  }
0x3a: {  	_ = 	snop  }
0x3b: {  	_ = 	snop  }
0x3c: {  	p2 =	seq.s32 s10, $0x1;
	s10 =	sld [smem:$0x3FB6]  }
0x3d: {  	_ =	shalt  }
0x3e: {  	_ =	shalt  }
0x3f: {  	_ =	shalt  }
0x40: {  	_ =	shalt  }
0x41: {  	_ =	shalt  }
0x42: {  	_ =	shalt  }
0x43: {  	_ =	shalt  }
0x44: {  	_ =	shalt  }
0x45: {  	_ =	shalt  }
0x46: {  	_ =	shalt  }
0x47: {  	_ =	shalt  }
0x48: {  	_ =	shalt  }
0x49: {  	_ =	shalt  }
0x4a: {  	_ =	shalt  }
0x4b: {  	_ =	shalt  }
0x4c: {  	_ =	shalt  }
0x4d: {  	_ =	shalt  }
0x4e: {  	_ =	shalt  }
0x4f: {  	_ =	shalt  }
0x50: {  	_ =	shalt  }
0x51: {  	_ =	shalt  }
0x52: {  	_ =	shalt  }
0x53: {  	_ =	shalt  }
0x54: {  	_ =	shalt  }
0x55: {  	_ =	shalt  }
0x56: {  	_ =	shalt  }
0x57: {  	_ =	shalt  }
0x58: {  	_ =	shalt  }
0x59: {  	_ =	shalt  }
0x5a: {  	_ =	shalt  }
0x5b: {  	_ =	shalt  }
0x5c: {  	_ =	shalt  }
0x5d: {  	_ =	shalt  }
0x5e: {  	_ =	shalt  }
0x5f: {  	_ =	shalt  }
0x60: {  	_ =	shalt  }
0x61: {  	_ =	shalt  }
0x62: {  	_ =	shalt  }
0x63: {  	_ =	shalt  }
0x64: {  	_ =	shalt  }
0x65: {  	_ =	shalt  }
0x66: {  	_ =	shalt  }
0x67: {  	_ =	shalt  }
0x68: {  	_ =	shalt  }
0x69: {  	_ =	shalt  }
0x6a: {  	_ =	shalt  }
0x6b: {  	_ =	shalt  }
0x6c: {  	_ =	shalt  }
0x6d: {  	_ =	shalt  }
0x6e: {  	_ =	shalt  }
0x6f: {  	_ =	shalt  }
0x70: {  	_ =	shalt  }
0x71: {  	_ =	shalt  }
0x72: {  	_ =	shalt  }
0x73: {  	_ =	shalt  }
0x74: {  	_ =	shalt  }
0x75: {  	_ =	shalt  }
0x76: {  	_ =	shalt  }
0x77: {  	_ =	shalt  }
0x78: {  	_ =	shalt  }
0x79: {  	_ =	shalt  }
0x7a: {  	_ =	shalt  }
0x7b: {  	_ =	shalt  }
0x7c: {  	_ =	shalt  }
0x7d: {  	_ =	shalt  }
0x7e: {  	_ =	shalt  }
0x7f: {  	_ =	shalt  }
0x80: {  	_ =	shalt  }
0x81: {  	_ =	shalt  }
0x82: {  	_ =	shalt  }
0x83: {  	_ =	shalt  }
0x84: {  	_ =	shalt  }
0x85: {  	_ =	shalt  }
0x86: {  	_ =	shalt  }
0x87: {  	_ =	shalt  }
.Lfunc_end0:
.L_simem_size_0:
called_computation.1_lowered:
.L_overlay_start_0:
0x88: {  	s2 =	sld [smem:$0x3FD9]  }
0x89: {  	s3 =	sld [smem:$0x3FFE];
	_ =	sdelay $0x1  }
0x8a: {  	s1 =	srdreg.scid  }
0x8b: {  	s0 =	sand.u32 $0x1, s1  }
0x8c: {  	s17 =	sshll.u32 s0, $0xA;
	s2 =	sadd.s32 s3, s2  }
0x8d: {  	s2 =	sadd.s32 s2, s17  }
0x8e: {  	[smem:$0x3FC2] =	sst s2  }
0x8f: {  	_ = 	snop  }
0x90: {  	s2 =	sld [smem:$0x3FD0];
	(tm) =	ssettm $0x1  }
0x91: {  	s18 =	sld [smem:$0x3FFB];
	_ =	sdelay $0x3  }
0x92: {  	_ =	strace s18  }
0x93: {  	s3 =	sld [smem:$0x3FFC];
	_ =	sdelay $0x3  }
0x94: {  	_ =	strace s3  }
0x95: {  	s3 =	sld [smem:$0x3FFD];
	_ =	sdelay $0x3  }
0x96: {  	_ =	strace s3  }
0x97: {  	_ =	strace $0x8FFFFFFF  }
0x98: {  	s19 =	sld [smem:$0x3FDB];
	_ =	sdelay $0x1  }
0x99: {  	s4 =	simm.s32 $_scs_section_size  }
0x9a: {  	s5 =	simm.s32 $_size__tile_overlayer_lowered;
	s6 =	simm.s32 $_tile_overlayer_lowered  }
0x9b: {  	s22 =	simm.s32 $0x1BFF;
	s21 =	sshll.u32 s6, $0x1;
	s3 =	sadd.s32 s4, s19  }
0x9c: {  	s7 =	simm.s32 $0x0;
	s20 =	sshll.u32 s5, $0x1;
	s5 =	sadd.s32 s21, s3  }
0x9d: {  	[timem:s7], [sflag:s22] =	dma.local [hbm:s5], s20  }
0x9e: {  	_ =	swait.ge [sflag:s22], s20  }
0x9f: {  	s4 =	ssub.s32 $0x0, s20;
	[sflag:s22] =	ssyncset.done $0x0  }
0xa0: {  	[sflag:s22] =	ssyncadd.s32 s4;
	_ =	sdelay $0x1  }
0xa1: {  	s23 =	simm.s32 $0x1B8B  }
0xa2: {  	_ =	swait.ge [sflag:s23], $0x1  }
0xa3: {  	[sflag:s23] =	ssyncset.done $0x0  }
0xa4: {  	s25 =	simm.s32 $0x1B8E;
	s24 =	sld [smem:$0x3FFE];
	[sflag:s23] =	ssyncadd.s32 $0xFFFFFFFF  }
0xa5: {  	s26 =	simm.s32 $execute0_lowered;
	[smem:$0x3FD2] =	sst s25  }
0xa6: {  	s5 =	sshll.u32 s26, $0x1;
	_ =	strace $0x80000049;
	[dreg:$0x1] =	wrdreg $0xFFFFFFFF  }
0xa7: {  	s28 =	simm.s32 $_size_execute0_lowered;
	s3 =	sadd.s32 s3, s5;
	[dreg:$0x0] =	wrdreg $0x0  }
0xa8: {  	s5 =	sshll.u32 s28, $0x1;
	[dreg:$0x2] =	wrdreg s3  }
0xa9: {  	[dreg:$0x3] =	wrdreg s5  }
0xaa: {  	[dreg:$0x4] =	wrdreg $0xC0  }
0xab: {  	_ =	task [dreg:s7], $0x5FFFF  }
0xac: {  	[dreg:$0x1] =	wrdreg $0xFFFFFFFF  }
0xad: {  	[dreg:$0x0] =	wrdreg $0x60  }
0xae: {  	[dreg:$0x2] =	wrdreg s24  }
0xaf: {  	[dreg:$0x3] =	wrdreg s2  }
0xb0: {  	[dreg:$0x4] =	wrdreg $0x9  }
0xb1: {  	_ =	task.clear_ibuf [dreg:s7], $0x5FFFF;
	_ =	strace $0x90000049  }
0xb2: {  	s29 =	simm.s32 $0x9;
	_ =	strace $0x8000004B  }
0xb3: {  	_ =	swait.ge [sflag:s29], $0x1  }
0xb4: {  	[sflag:s29] =	ssyncadd.s32 $0xFFFFFFFF  }
0xb5: {  	_ =	strace $0x9000004B  }
0xb6: {  	_ =	sfence  }
0xb7: {  	s30 =	sld [smem:$0x0];
	_ =	sdelay $0x2  }
0xb8: {  	s31 =	sshll.u32 s1, $0xD;
	s1 =	sshrl.u32 s1, $0x2  }
0xb9: {  	s3 =	sand.u32 $0x4000, s31;
	s1 =	sadd.s32 s1, s30  }
0xba: {  	s0 =	sor.u32 s3, s0;
	s1 =	sshll.u32 s1, $0x11  }
0xbb: {  	s0 =	sor.u32 s1, s0  }
0xbc: {  	s0 =	sadd.s32 $0x8F2B, s0  }
0xbd: {  	[sflag:s0] =	ssyncadd.remote.s32 $0x1  }
0xbe: {  	_ =	sfence.sel $0xFFFF  }
0xbf: {  	[dreg:$0x0] =	wrdreg $0xFFFFFFFF;
	(pc) =	sbr.abs _section_cstart, $3  }
0xc0: {  	[dreg:$0x1] =	wrdreg $0xFFFFFFFF  }
0xc1: {  	_ =	task.clear_ibuf [dreg:s7], $0x2FFFF;
	_ =	strace $0x9FFFFFFF  }
0xc2: {  	(tm) =	ssettm $0x7FFFFFFF  }
0xc3: {  	_ =	shalt  }
tec
execute0_lowered:
.L_overlay_start_1:
0x0: {  	(tag) =	ssettag $0x1  }
0x1: {  	s0 =	rddreg [dreg:$0x0];
	s3 =	srdreg.scid  }
0x2: {  	s2 =	rddreg [dreg:$0x1];
	s4 =	sand.u32 $0x1, s3;
	s3 =	simm.s32 $0x0  }
0x3: {  	s1 =	stileid.u32;
	s11 =	simm.s32 $0x80;
	[smem:$0x7FF] =	sst s3  }
0x4: {  	s13 =	simm.s32 $0x100;
	_ =	strace $0x8000004A;
	[dreg:$0xb] =	wrdreg s11  }
0x5: {  	s15 =	simm.s32 $0x180;
	s16 =	simm.s32 $0xA00;
	[dreg:$0xc] =	wrdreg s13  }
0x6: {  	s17 =	simm.s32 $0x1200;
	s18 =	simm.s32 $0x1A00;
	[dreg:$0xd] =	wrdreg s15  }
0x7: {  	s19 =	simm.s32 $0x2200;
	s20 =	simm.s32 $0x2A00;
	[dreg:$0xe] =	wrdreg s16  }
0x8: {  	s21 =	simm.s32 $0x3A00;
	s22 =	simm.s32 $0x4200;
	[dreg:$0xf] =	wrdreg s17  }
0x9: {  	s23 =	simm.s32 $0x4A00;
	s24 =	simm.s32 $0x5200;
	[dreg:$0x10] =	wrdreg s18  }
0xa: {  	s25 =	simm.s32 $0x5A00;
	s28 =	simm.s32 $0xBA00;
	[dreg:$0x11] =	wrdreg s19  }
0xb: {  	s29 =	simm.s32 $0x9;
	s30 =	simm.s32 $0xA;
	[dreg:$0x12] =	wrdreg s20  }
0xc: {  	s31 =	simm.s32 $0xB;
	s5 =	sshll.u32 s1, $0x4;
	[dreg:$0x13] =	wrdreg s21  }
0xd: {  	s7 =	sadd.s32 $0x1400, s0;
	s0 =	sadd.s32 $0x1600, s0;
	[dreg:$0x14] =	wrdreg s22  }
0xe: {  	s6 =	sshll.u32 s4, $0x3;
	s4 =	ssub.s32 $0x2, s4;
	[dreg:$0x15] =	wrdreg s23  }
0xf: {  	s5 =	sor.u32 s6, s5;
	s12 =	sshrl.u32 s4, $0x1;
	[dreg:$0x16] =	wrdreg s24  }
0x10: {  	s11 =	simm.s32 $0x1;
	s13 =	simm.s32 $0x2;
	[dreg:$0x17] =	wrdreg s25  }
0x11: {  	s15 =	simm.s32 $0x3;
	s16 =	simm.s32 $0x7;
	s20 =	simm.s32 $0x8A00  }
0x12: {  	s21 =	simm.s32 $0x4;
	s22 =	simm.s32 $0x8;
	s23 =	simm.s32 $0x9A00  }
0x13: {  	s24 =	simm.s32 $0xA200;
	s25 =	simm.s32 $0xAA00;
	s6 =	sadd.s32 s7, s5  }
0x14: {  	s8 =	sor.u32 $0x2, s5;
	s1 =	sor.u32 $0x4, s5;
	s10 =	sor.u32 $0x6, s5  }
0x15: {  	s5 =	smul.u32 $0x300, s5;
	s14 =	ssub.s32 s4, s12;
	s4 =	sadd.s32 $0x100, s2  }
0x16: {  	s12 =	simm.s32 $0x5;
	[dreg:$0x3] =	wrdreg s6;
	s26 =	sadd.s32 s7, s8  }
0x17: {  	s9 =	sadd.s32 s7, s1;
	s8 =	smul.u32 $0x300, s8;
	[dreg:$0x4] =	wrdreg s26  }
0x18: {  	s7 =	sadd.s32 s7, s10;
	s6 =	smul.u32 $0x300, s1;
	[dreg:$0x5] =	wrdreg s9  }
0x19: {  	[dreg:$0x6] =	wrdreg s7;
	s5 =	sadd.s32 s0, s5;
	s9 =	smul.u32 $0x300, s10  }
0x1a: {  	s7 =	simm.s32 $0x200;
	s26 =	simm.s32 $0x6A00;
	[dreg:$0x7] =	wrdreg s5  }
0x1b: {  	s8 =	sadd.s32 s0, s8;
	s10 =	sadd.s32 s0, s6;
	[dreg:$0x18] =	wrdreg s26  }
0x1c: {  	s5 =	sadd.s32 $0x200, s2;
	s6 =	smax.u32 s14, $0x1;
	[dreg:$0x8] =	wrdreg s8  }
0x1d: {  	v2 =	vlaneseq.u32;
	s14 =	simm.s32 $0x6;
	s26 =	simm.s32 $0xB200;
	[dreg:$0x9] =	wrdreg s10  }
0x1e: {  	vm0 =	vmmov $0xffff;
	v1 =	vshrl.u32 v2, $0x3;
	s0 =	sadd.s32 s0, s9;
	s8 =	simm.s32 $0x3200;
	s9 =	simm.s32 $0x6200  }
0x1f: {  	v0 =	vand.u32 $0x7, v2;
	v2 =	vor.u32 $0x8, v2;
	v1 =	vmul.u32 $0x8, v1;
	s10 =	simm.s32 $0x9200;
	[dreg:$0xa] =	wrdreg s0;
	s0 =	simm.s32 $0xC  }
.LBB2_1:
0x20: {  	s1 =	rddreg [dreg:$0x3]  }
0x21: {  	s17 =	rddreg [dreg:$0x4]  }
0x22: {  	s18 =	rddreg [dreg:$0xb]  }
0x23: {  	s19 =	rddreg [dreg:$0xd]  }
0x24: {  	[tilespmem:s3], [sflag:$0x1] =	stream.linear.gather [hbm4b:s1+s3], $0x10, $0x38;
	[tilespmem:$0xC200] =	vst v63  }
0x25: {  	s1 =	rddreg [dreg:$0x5]  }
0x26: {  	[tilespmem:s18], [sflag:$0x2] =	stream.linear.gather [hbm4b:s17+s3], $0x10, $0x38;
	[tilespmem:$0xC200] =	vst v63  }
0x27: {  	s17 =	rddreg [dreg:$0xc]  }
0x28: {  	[tilespmem:s17], [sflag:$0x3] =	stream.linear.gather [hbm4b:s1+s3], $0x10, $0x38;
	[tilespmem:$0xC200] =	vst v63  }
0x29: {  	s18 =	rddreg [dreg:$0x6]  }
0x2a: {  	[tilespmem:s19], [sflag:$0x4] =	stream.linear.gather [hbm4b:s18+s3], $0x10, $0x38;
	[tilespmem:$0xC200] =	vst v63  }
0x2b: {  	s17 =	rddreg [dreg:$0x7]  }
0x2c: {  	[tilespmem:s7], [sflag:$0x5] =	stream.linear.gather [hbm4b:s17+s3], $0x3000, $0x38;
	[tilespmem:$0xC200] =	vst v63  }
0x2d: {  	s19 =	rddreg [dreg:$0x8]  }
0x2e: {  	[tilespmem:s8], [sflag:$0x6] =	stream.linear.gather [hbm4b:s19+s3], $0x3000, $0x38;
	[tilespmem:$0xC200] =	vst v63  }
0x2f: {  	s18 =	rddreg [dreg:$0x9]  }
0x30: {  	[tilespmem:s9], [sflag:$0x7] =	stream.linear.gather [hbm4b:s18+s3], $0x3000, $0x38;
	[tilespmem:$0xC200] =	vst v63  }
0x31: {  	s19 =	rddreg [dreg:$0xa]  }
0x32: {  	[tilespmem:s10], [sflag:$0x8] =	stream.linear.gather [hbm4b:s19+s3], $0x3000, $0x38;
	[tilespmem:$0xC200] =	vst v63  }
0x33: {  	_ =	swait.ge [sflag:s11], $0x10  }
0x34: {  	[sflag:s11] =	ssyncset.done $0x0  }
0x35: {  	[sflag:s11] =	ssyncadd.s32 $0xFFFFFFF0  }
0x36: {  	_ =	swait.ge [sflag:s12], $0x3000  }
0x37: {  	[sflag:s12] =	ssyncset.done $0x0  }
0x38: {  	[sflag:s12] =	ssyncadd.s32 $0xFFFFD000  }
0x39: {  	v3 =	vld [tilespmem:$0x0];
	_ =	sdelay $0x4  }
0x3a: {  	v4 =	vshrl.u32 v3, $0x3  }
0x3b: {  	v4 =	vmul.u32 $0x30, v4  }
0x3c: {  	v3 =	vand.u32 $0x7, v3  }
0x3d: {  	v3 =	vor.u32 v3, v4  }
0x3e: {  	v4 =	vperm.xlane v3, v0;
	_ =	sdelay $0x1  }
0x3f: {  	v4 =	vadd.s32 v1, v4;
	_ =	sdelay $0x3  }
0x40: {  	v3 =	vperm.xlane v3, v2  }
0x41: {  	[hbm4b:s2+s3] =	stream.indirect_vreg.scatter [tilespmem:s7], [sflag:$0x9], $0x80, v4, vm0, $0xb8;
	[tilespmem:$0xC200] =	vst v63  }
0x42: {  	s17 =	rddreg [dreg:$0xe];
	v3 =	vadd.s32 v1, v3  }
0x43: {  	[hbm4b:s4+s3] =	stream.indirect_vreg.scatter [tilespmem:s17], [sflag:$0x9], $0x80, v4, vm0, $0xb8;
	[tilespmem:$0xC200] =	vst v63  }
0x44: {  	s18 =	rddreg [dreg:$0xf]  }
0x45: {  	[hbm4b:s5+s3] =	stream.indirect_vreg.scatter [tilespmem:s18], [sflag:$0x9], $0x80, v4, vm0, $0xb8;
	[tilespmem:$0xC200] =	vst v63  }
0x46: {  	s19 =	rddreg [dreg:$0x10]  }
0x47: {  	[hbm4b:s2+s3] =	stream.indirect_vreg.scatter [tilespmem:s19], [sflag:$0x9], $0x80, v3, vm0, $0xb8;
	[tilespmem:$0xC200] =	vst v63  }
0x48: {  	s18 =	rddreg [dreg:$0x11]  }
0x49: {  	[hbm4b:s4+s3] =	stream.indirect_vreg.scatter [tilespmem:s18], [sflag:$0x9], $0x80, v3, vm0, $0xb8;
	[tilespmem:$0xC200] =	vst v63  }
0x4a: {  	s19 =	rddreg [dreg:$0x12]  }
0x4b: {  	[hbm4b:s5+s3] =	stream.indirect_vreg.scatter [tilespmem:s19], [sflag:$0x9], $0x80, v3, vm0, $0xb8;
	[tilespmem:$0xC200] =	vst v63  }
0x4c: {  	_ =	swait.ge [sflag:s13], $0x10  }
0x4d: {  	[sflag:s13] =	ssyncset.done $0x0  }
0x4e: {  	[sflag:s13] =	ssyncadd.s32 $0xFFFFFFF0  }
0x4f: {  	_ =	swait.ge [sflag:s14], $0x3000  }
0x50: {  	[sflag:s14] =	ssyncset.done $0x0  }
0x51: {  	[sflag:s14] =	ssyncadd.s32 $0xFFFFD000  }
0x52: {  	v3 =	vld [tilespmem:$0x80];
	_ =	sdelay $0x4  }
0x53: {  	v61 =	vshrl.u32 v3, $0x3  }
0x54: {  	v4 =	vmul.u32 $0x30, v61  }
0x55: {  	v3 =	vand.u32 $0x7, v3  }
0x56: {  	v3 =	vor.u32 v3, v4  }
0x57: {  	v4 =	vperm.xlane v3, v0;
	_ =	sdelay $0x1  }
0x58: {  	v4 =	vadd.s32 v1, v4;
	_ =	sdelay $0x3  }
0x59: {  	v3 =	vperm.xlane v3, v2  }
0x5a: {  	[hbm4b:s2+s3] =	stream.indirect_vreg.scatter [tilespmem:s8], [sflag:$0xA], $0x80, v4, vm0, $0xb8;
	[tilespmem:$0xC200] =	vst v63  }
0x5b: {  	s18 =	rddreg [dreg:$0x13];
	v3 =	vadd.s32 v1, v3  }
0x5c: {  	[hbm4b:s4+s3] =	stream.indirect_vreg.scatter [tilespmem:s18], [sflag:$0xA], $0x80, v4, vm0, $0xb8;
	[tilespmem:$0xC200] =	vst v63  }
0x5d: {  	s19 =	rddreg [dreg:$0x14]  }
0x5e: {  	[hbm4b:s5+s3] =	stream.indirect_vreg.scatter [tilespmem:s19], [sflag:$0xA], $0x80, v4, vm0, $0xb8;
	[tilespmem:$0xC200] =	vst v63  }
0x5f: {  	s18 =	rddreg [dreg:$0x15]  }
0x60: {  	[hbm4b:s2+s3] =	stream.indirect_vreg.scatter [tilespmem:s18], [sflag:$0xA], $0x80, v3, vm0, $0xb8;
	[tilespmem:$0xC200] =	vst v63  }
0x61: {  	s19 =	rddreg [dreg:$0x16]  }
0x62: {  	[hbm4b:s4+s3] =	stream.indirect_vreg.scatter [tilespmem:s19], [sflag:$0xA], $0x80, v3, vm0, $0xb8;
	[tilespmem:$0xC200] =	vst v63  }
0x63: {  	s18 =	rddreg [dreg:$0x17]  }
0x64: {  	[hbm4b:s5+s3] =	stream.indirect_vreg.scatter [tilespmem:s18], [sflag:$0xA], $0x80, v3, vm0, $0xb8;
	[tilespmem:$0xC200] =	vst v63  }
0x65: {  	_ =	swait.ge [sflag:s15], $0x10  }
0x66: {  	[sflag:s15] =	ssyncset.done $0x0  }
0x67: {  	[sflag:s15] =	ssyncadd.s32 $0xFFFFFFF0  }
0x68: {  	_ =	swait.ge [sflag:s16], $0x3000  }
0x69: {  	[sflag:s16] =	ssyncset.done $0x0  }
0x6a: {  	[sflag:s16] =	ssyncadd.s32 $0xFFFFD000  }
0x6b: {  	v3 =	vld [tilespmem:$0x100];
	_ =	sdelay $0x4  }
0x6c: {  	v62 =	vshrl.u32 v3, $0x3  }
0x6d: {  	v4 =	vmul.u32 $0x30, v62  }
0x6e: {  	v3 =	vand.u32 $0x7, v3  }
0x6f: {  	v3 =	vor.u32 v3, v4  }
0x70: {  	v4 =	vperm.xlane v3, v0;
	_ =	sdelay $0x1  }
0x71: {  	v4 =	vadd.s32 v1, v4;
	_ =	sdelay $0x3  }
0x72: {  	v3 =	vperm.xlane v3, v2  }
0x73: {  	[hbm4b:s2+s3] =	stream.indirect_vreg.scatter [tilespmem:s9], [sflag:$0xB], $0x80, v4, vm0, $0xb8;
	[tilespmem:$0xC200] =	vst v63  }
0x74: {  	s19 =	rddreg [dreg:$0x18];
	v3 =	vadd.s32 v1, v3  }
0x75: {  	[hbm4b:s4+s3] =	stream.indirect_vreg.scatter [tilespmem:s19], [sflag:$0xB], $0x80, v4, vm0, $0xb8;
	[tilespmem:$0xC200] =	vst v63  }
0x76: {  	s17 =	simm.s32 $0x7200  }
0x77: {  	[hbm4b:s5+s3] =	stream.indirect_vreg.scatter [tilespmem:s17], [sflag:$0xB], $0x80, v4, vm0, $0xb8;
	[tilespmem:$0xC200] =	vst v63  }
0x78: {  	s18 =	simm.s32 $0x7A00  }
0x79: {  	[hbm4b:s2+s3] =	stream.indirect_vreg.scatter [tilespmem:s18], [sflag:$0xB], $0x80, v3, vm0, $0xb8;
	[tilespmem:$0xC200] =	vst v63  }
0x7a: {  	s19 =	simm.s32 $0x8200  }
0x7b: {  	[hbm4b:s4+s3] =	stream.indirect_vreg.scatter [tilespmem:s19], [sflag:$0xB], $0x80, v3, vm0, $0xb8;
	[tilespmem:$0xC200] =	vst v63  }
0x7c: {  	_ = 	snop  }
0x7d: {  	[hbm4b:s5+s3] =	stream.indirect_vreg.scatter [tilespmem:s20], [sflag:$0xB], $0x80, v3, vm0, $0xb8;
	[tilespmem:$0xC200] =	vst v63  }
0x7e: {  	_ =	swait.ge [sflag:s21], $0x10  }
0x7f: {  	[sflag:s21] =	ssyncset.done $0x0  }
0x80: {  	[sflag:s21] =	ssyncadd.s32 $0xFFFFFFF0  }
0x81: {  	_ =	swait.ge [sflag:s22], $0x3000  }
0x82: {  	[sflag:s22] =	ssyncset.done $0x0  }
0x83: {  	[sflag:s22] =	ssyncadd.s32 $0xFFFFD000  }
0x84: {  	v3 =	vld [tilespmem:$0x180];
	_ =	sdelay $0x4  }
0x85: {  	v63 =	vshrl.u32 v3, $0x3  }
0x86: {  	v4 =	vmul.u32 $0x30, v63  }
0x87: {  	v3 =	vand.u32 $0x7, v3  }
0x88: {  	v3 =	vor.u32 v3, v4  }
0x89: {  	v4 =	vperm.xlane v3, v0;
	_ =	sdelay $0x1  }
0x8a: {  	v4 =	vadd.s32 v1, v4;
	_ =	sdelay $0x3  }
0x8b: {  	v3 =	vperm.xlane v3, v2  }
0x8c: {  	[hbm4b:s2+s3] =	stream.indirect_vreg.scatter [tilespmem:s10], [sflag:$0xC], $0x80, v4, vm0, $0xb8;
	[tilespmem:$0xC200] =	vst v63  }
0x8d: {  	v3 =	vadd.s32 v1, v3  }
0x8e: {  	[hbm4b:s4+s3] =	stream.indirect_vreg.scatter [tilespmem:s23], [sflag:$0xC], $0x80, v4, vm0, $0xb8;
	[tilespmem:$0xC200] =	vst v63  }
0x8f: {  	_ = 	snop  }
0x90: {  	[hbm4b:s5+s3] =	stream.indirect_vreg.scatter [tilespmem:s24], [sflag:$0xC], $0x80, v4, vm0, $0xb8;
	[tilespmem:$0xC200] =	vst v63  }
0x91: {  	_ = 	snop  }
0x92: {  	[hbm4b:s2+s3] =	stream.indirect_vreg.scatter [tilespmem:s25], [sflag:$0xC], $0x80, v3, vm0, $0xb8;
	[tilespmem:$0xC200] =	vst v63  }
0x93: {  	_ = 	snop  }
0x94: {  	[hbm4b:s4+s3] =	stream.indirect_vreg.scatter [tilespmem:s26], [sflag:$0xC], $0x80, v3, vm0, $0xb8;
	[tilespmem:$0xC200] =	vst v63  }
0x95: {  	_ = 	snop  }
0x96: {  	[hbm4b:s5+s3] =	stream.indirect_vreg.scatter [tilespmem:s28], [sflag:$0xC], $0x80, v3, vm0, $0xb8;
	[tilespmem:$0xC200] =	vst v63  }
0x97: {  	_ =	swait.ge [sflag:s29], $0x3000  }
0x98: {  	[sflag:s29] =	ssyncset.done $0x0  }
0x99: {  	[sflag:s29] =	ssyncadd.s32 $0xFFFFD000  }
0x9a: {  	_ =	swait.ge [sflag:s30], $0x3000  }
0x9b: {  	[sflag:s30] =	ssyncset.done $0x0  }
0x9c: {  	[sflag:s30] =	ssyncadd.s32 $0xFFFFD000  }
0x9d: {  	p0 =	sne.s32 s6, $0x1;
	_ =	swait.ge [sflag:s31], $0x3000  }
.Ltmp0:
0x9e: {  	[sflag:s31] =	ssyncset.done $0x0;
	(pc) =	sbr.rel @p0 .LBB2_1-.Ltmp0, $4  }
0x9f: {  	[sflag:s31] =	ssyncadd.s32 $0xFFFFD000  }
0xa0: {  	_ =	swait.ge [sflag:s0], $0x3000  }
0xa1: {  	[sflag:s0] =	ssyncset.done $0x0  }
0xa2: {  	s6 =	sadd.s32 $0xFFFFFFFF, s6;
	[sflag:s0] =	ssyncadd.s32 $0xFFFFD000  }
0xa3: {  	_ =	sfence.sel $0x180000  }
0xa4: {  	[bflag:$0x0] =	sbarrier.arrive $0xFFFF  }
0xa5: {  	_ =	strace $0x9000004A  }
0xa6: {  	s0 =	stileid.u32;
	[bflag:$0x2] =	sbarrier.arrive $0xFFFF  }
0xa7: {  	p0 =	sne.s32 s0, $0x0;
	s0 =	rddreg [dreg:$0x2]  }
0xa8: {  	s0 =	sadd.s32 @!p0 $0x100000, s0  }
0xa9: {  	[sflag:s0] =	ssyncadd.tile.s32 @!p0 $0x1;
	_ =	shalt  }
.Lfunc_end2:
_tile_overlayer_lowered:
.L_overlay_start_2:
0xaa: {  	(tag) =	ssettag $0x2  }
0xab: {  	s0 =	rddreg [dreg:$0x0];
	s2 =	stileid.u32  }
0xac: {  	s1 =	rddreg [dreg:$0x1];
	p0 =	sne.s32 s2, $0x0  }
0xad: {  	s3 =	rddreg [dreg:$0x2];
	[bflag:$0x3] =	sbarrier.arrive $0xFFFF;
	s2 =	simm.s32 @!p0 $0x1C0D  }
0xae: {  	[timem:s3], [sflag:s2] =	dma.local @!p0 [hbm:s0], s1  }
0xaf: {  	s0 =	simm.s32 @!p0 $0xD  }
0xb0: {  	_ =	swait.ge @!p0 [sflag:s0], s1  }
0xb1: {  	s1 =	ssub.s32 @!p0 $0x0, s1;
	[sflag:s0] =	ssyncset.done @!p0 $0x0  }
0xb2: {  	[sflag:s0] =	ssyncadd.s32 @!p0 s1  }
0xb3: {  	[bflag:$0x3] =	sbarrier.arrive $0xFFFF  }
0xb4: {  	_ =	shalt  }

</sc_bundles>
